<compile_context>
chip_gen: v7x
topology: tpu7x:2x2x1
jax: 0.10.2.dev20260603
libtpu: 0.0.44.dev20260713+nightly
codegen_flags: <defaults>
</compile_context>

<pallas_src>
import functools

import jax
import jax.numpy as jnp
from jax import lax
from jax.experimental import pallas as pl
from jax.experimental.pallas import tpu as pltpu
from jax.experimental.pallas import tpu_sc as plsc

_NC = 2
_NS = 16
_NW = _NC * _NS
_LANES = 16

_QCHUNKS = 4


@functools.lru_cache(maxsize=None)
def _make_index(B, F):
  assert F <= _NW

  @functools.partial(
      pl.kernel,
      out_type=jax.ShapeDtypeStruct((F * B,), jnp.int32),
      mesh=plsc.VectorSubcoreMesh(
          core_axis_name="c", subcore_axis_name="s",
          num_cores=_NC, num_subcores=_NS),
      scratch_types=[pltpu.VMEM((B,), jnp.int32)],
  )
  def index_kernel(xt_hbm, out_hbm, ids_v):
    wid = lax.axis_index("s") * _NC + lax.axis_index("c")

    @pl.when(wid < F)
    def _():
      pltpu.sync_copy(xt_hbm.at[wid], ids_v)
      pltpu.sync_copy(ids_v, out_hbm.at[pl.ds(wid * B, B)])

  return index_kernel


@functools.lru_cache(maxsize=None)
def _make_gather(B, F, V, D, base, count):
  per_w = count // _NW
  brows = B // 128
  qrows = brows // _QCHUNKS
  assert count % _NW == 0 and B % (128 * _QCHUNKS) == 0

  mesh = plsc.VectorSubcoreMesh(
      core_axis_name="c", subcore_axis_name="s",
      num_cores=_NC, num_subcores=_NS)

  @functools.partial(
      pl.kernel,
      out_type=jax.ShapeDtypeStruct((count, brows, 128), jnp.float32),
      mesh=mesh,
      scratch_types=[
          pltpu.VMEM((V,), jnp.float32),
          pltpu.VMEM((qrows, 128), jnp.int32),
          pltpu.VMEM((qrows, 128), jnp.int32),
          pltpu.VMEM((brows, 128), jnp.float32),
          pltpu.SemaphoreType.DMA,
          pltpu.SemaphoreType.DMA,
          pltpu.SemaphoreType.DMA,
          pltpu.SemaphoreType.DMA,
      ],
      compiler_params=pltpu.CompilerParams(
          use_tc_tiling_on_sc=True, needs_layout_passes=False),
  )
  def gather_kernel(idx_hbm, tbl_hbm, out_hbm, row_v, ids0, ids1, out_v,
                    sem_row, sem_i0, sem_i1, sem_out):
    wid = lax.axis_index("s") * _NC + lax.axis_index("c")
    idbuf = (ids0, ids1)
    idsem = (sem_i0, sem_i1)

    @pl.loop(0, per_w)
    def _pair(i):
      o = wid * per_w + i
      p = base + o
      f = p // D
      d = p - f * D

      trow = tbl_hbm.at[f, d]
      pltpu.async_copy(trow, row_v, sem_row)
      for q in range(2):
        pltpu.async_copy(idx_hbm.at[pl.ds(f * brows + q * qrows, qrows)],
                         idbuf[q], idsem[q])

      @pl.when(i > 0)
      def _():
        pltpu.make_async_copy(out_v, out_hbm.at[o - 1], sem_out).wait()

      pltpu.make_async_copy(trow, row_v, sem_row).wait()

      for q in range(_QCHUNKS):
        buf = idbuf[q % 2]
        pltpu.make_async_copy(
            idx_hbm.at[pl.ds(f * brows + q * qrows, qrows)], buf,
            idsem[q % 2]).wait()

        @pl.loop(0, qrows)
        def _g(rr):
          for jj in range(8):
            sl = pl.ds(jj * _LANES, _LANES)
            vals = plsc.load_gather(row_v, [buf[rr, sl]])
            out_v[q * qrows + rr, sl] = vals

        if q + 2 < _QCHUNKS:
          pltpu.async_copy(
              idx_hbm.at[pl.ds(f * brows + (q + 2) * qrows, qrows)], buf,
              idsem[q % 2])

      pltpu.async_copy(out_v, out_hbm.at[o], sem_out)

    pltpu.make_async_copy(
        out_v, out_hbm.at[wid * per_w + per_w - 1], sem_out).wait()

  return gather_kernel


def _stats_body(x_ref, o_ref):
  @pl.when(pl.program_id(0) == 0)
  def _():
    o_ref[...] = jnp.zeros_like(o_ref)

  xb = x_ref[...]
  s = jnp.sum(jnp.sum(xb, axis=1), axis=1, keepdims=True)
  sq = jnp.sum(jnp.sum(xb * xb, axis=1), axis=1, keepdims=True)
  o_ref[:, 0:1] += s
  o_ref[:, 1:2] += sq


def _head_body(nb_inv, rb, x_ref, st_ref, g_ref, be_ref, w_ref, b_ref,
               o_ref):
  st = st_ref[...]
  mean = st[:, 0:1] * nb_inv
  var = st[:, 1:2] * nb_inv - mean * mean
  scale = g_ref[...] * lax.rsqrt(var + 1e-5)
  shift = be_ref[...] - mean * scale
  k = x_ref.shape[0]
  xn = x_ref[...].reshape(k, rb * 128) * scale + shift
  yt = lax.dot_general(w_ref[...], xn, (((1,), (0,)), ((), ())),
                       preferred_element_type=jnp.float32)
  y = yt.T
  o_ref[...] = jnp.maximum(y + b_ref[...], 0.0)


@functools.lru_cache(maxsize=None)
def _make_stats(B, k, rb):
  nb = B // 128 // rb
  return pl.pallas_call(
      _stats_body,
      grid=(nb,),
      in_specs=[pl.BlockSpec((k, rb, 128), lambda i: (0, i, 0))],
      out_specs=pl.BlockSpec((k, 2), lambda i: (0, 0)),
      out_shape=jax.ShapeDtypeStruct((k, 2), jnp.float32),
  )


@functools.lru_cache(maxsize=None)
def _make_head(B, K, OUT, rb):
  nb = B // 128 // rb
  return pl.pallas_call(
      functools.partial(_head_body, 1.0 / B, rb),
      grid=(nb,),
      in_specs=[
          pl.BlockSpec((K, rb, 128), lambda i: (0, i, 0)),
          pl.BlockSpec((K, 2), lambda i: (0, 0)),
          pl.BlockSpec((K, 1), lambda i: (0, 0)),
          pl.BlockSpec((K, 1), lambda i: (0, 0)),
          pl.BlockSpec((OUT, K), lambda i: (0, 0)),
          pl.BlockSpec((1, OUT), lambda i: (0, 0)),
      ],
      out_specs=pl.BlockSpec((rb * 128, OUT), lambda i: (i, 0)),
      out_shape=jax.ShapeDtypeStruct((B, OUT), jnp.float32),
  )


def kernel(x_in, emb_tables, bn_gamma, bn_beta, W, b):
  B, F = x_in.shape
  _, V, D = emb_tables.shape
  OUT = W.shape[0]
  K = F * D

  xt = x_in.T
  tblT = emb_tables.transpose(0, 2, 1)

  ids = _make_index(B, F)(xt)
  idx2 = ids.reshape(F * B // 128, 128)
  x3 = _make_gather(B, F, V, D, 0, K)(idx2, tblT)
  st = _make_stats(B, K, 16)(x3)
  return _make_head(B, K, OUT, 16)(
      x3, st, bn_gamma.reshape(K, 1), bn_beta.reshape(K, 1),
      W, b.reshape(1, OUT))

# --- scband reference (transcript-rebuilt; emitter-appended) ---
"""Pipeline reference for scband-cat-emb-head-11355893531238 (READ-ONLY COPY).

The authoritative reference and input builder live on the scoring server;
editing this copy changes nothing except your own understanding.
"""

import jax, jax.numpy as jnp
import numpy as np

B = 16384
F = 26
V = 100000
D = 16
OUT = 128


def setup_inputs(seed: int = 0) -> dict:
    key = jax.random.key(seed)
    k1, k2, k3 = jax.random.split(key, 3)
    x_in = jax.random.randint(k1, (B, F), 0, V, dtype=jnp.int32)
    emb_tables = jax.random.normal(k2, (F, V, D), dtype=jnp.float32) * 0.02
    bn_gamma = jnp.ones((F * D,), dtype=jnp.float32)
    bn_beta = jnp.zeros((F * D,), dtype=jnp.float32)
    W = jax.random.normal(k3, (OUT, F * D), dtype=jnp.float32) * (2.0 / (F * D)) ** 0.5
    b = jnp.zeros((OUT,), dtype=jnp.float32)
    return {"x_in": x_in, "emb_tables": emb_tables, "bn_gamma": bn_gamma, "bn_beta": bn_beta, "W": W, "b": b}


def reference(x_in, emb_tables, bn_gamma, bn_beta, W, b):
    # per-field embedding lookup, then concat along feature dim (field-major order,
    # matching torch.cat([emb(x_cat[:, i]) for i, emb in ...], dim=1))
    gathered = jax.vmap(lambda tbl, idx: jnp.take(tbl, idx, axis=0), in_axes=(0, 1), out_axes=1)(emb_tables, x_in)
    x = gathered.reshape(x_in.shape[0], -1)
    # input BatchNorm1d (training-mode batch statistics, biased variance)
    mean = jnp.mean(x, axis=0)
    var = jnp.var(x, axis=0)
    x = (x - mean) / jnp.sqrt(var + 1e-5) * bn_gamma + bn_beta
    # dense head: Linear + ReLU (bn=False, do=0)
    x = x @ W.T + b
    return jax.nn.relu(x)

if __name__ == "__main__":
    import jax
    _d = setup_inputs()
    print(jax.jit(kernel)(*tuple(_d.values())))

</pallas_src>

<mosaic_0001>
#map = affine_map<(d0, d1) -> (0, 0)>
#map1 = affine_map<(d0, d1) -> (0, 0, 0)>
module attributes {stable_mosaic.version = 14 : i64} {
  func.func @gather_kernel(%arg0: i32, %arg1: i32, %arg2: memref<3328x128xi32, #tpu.memory_space<hbm>>, %arg3: memref<26x16x100000xf32, #tpu.memory_space<hbm>>, %arg4: memref<416x128x128xf32, #tpu.memory_space<hbm>>, %arg5: memref<100000xf32, #tpu.memory_space<vmem>>, %arg6: memref<32x128xi32, #tpu.memory_space<vmem>>, %arg7: memref<32x128xi32, #tpu.memory_space<vmem>>, %arg8: memref<128x128xf32, #tpu.memory_space<vmem>>, %arg9: memref<!tpu.dma_semaphore, #tpu.memory_space<semaphore_mem>>, %arg10: memref<!tpu.dma_semaphore, #tpu.memory_space<semaphore_mem>>, %arg11: memref<!tpu.dma_semaphore, #tpu.memory_space<semaphore_mem>>, %arg12: memref<!tpu.dma_semaphore, #tpu.memory_space<semaphore_mem>>) attributes {dimension_semantics = [#tpu.dimension_semantics<core_parallel>, #tpu.dimension_semantics<subcore_parallel>], iteration_bounds = array<i64: 2, 16>, scalar_prefetch = 0 : i64, scratch_operands = 8 : i64, tpu.core_type = #tpu.core_type<sc_vector_subcore>, window_params = [{transform_indices = #map}, {transform_indices = #map1}, {transform_indices = #map1}]} {
    %mul3A = arith.constant 2 : i32
    %mul3A_0 = arith.muli %arg1, %mul3A : i32
    %add3A = arith.addi %mul3A_0, %arg0 : i32
    %scan3A = arith.constant 0 : i32
    %scan3A_1 = arith.constant 13 : i32
    %scan3A_2 = arith.addi %scan3A, %scan3A_1 : i32
    %scan3A_3 = arith.constant 1 : i32
    scf.for %scan3A_17 = %scan3A to %scan3A_2 step %scan3A_3  : i32 {
      %mul3A_18 = arith.constant 1 : i32
      %mul3A_19 = arith.muli %scan3A_17, %mul3A_18 : i32
      %add3A_20 = arith.constant 0 : i32
      %add3A_21 = arith.addi %add3A_20, %mul3A_19 : i32
      %mul3A_22 = arith.constant 13 : i32
      %mul3A_23 = arith.muli %add3A, %mul3A_22 : i32
      %add3A_24 = arith.addi %mul3A_23, %add3A_21 : i32
      %add3A_25 = arith.constant 0 : i32
      %add3A_26 = arith.addi %add3A_25, %add3A_24 : i32
      %jit3A = arith.constant 16 : i32
      %div3A = arith.divsi %add3A_26, %jit3A : i32
      %sign3A = arith.constant 0 : i32
      %sign3A_27 = arith.cmpi sgt, %add3A_26, %sign3A : i32
      %sign3A_28 = arith.extui %sign3A_27 : i1 to i32
      %sign3A_29 = arith.constant 0 : i32
      %sign3A_30 = arith.cmpi slt, %add3A_26, %sign3A_29 : i32
      %sign3A_31 = arith.extui %sign3A_30 : i1 to i32
      %sign3A_32 = arith.subi %sign3A_28, %sign3A_31 : i32
      %sign3A_33 = arith.constant 0 : i32
      %sign3A_34 = arith.cmpi sgt, %jit3A, %sign3A_33 : i32
      %sign3A_35 = arith.extui %sign3A_34 : i1 to i32
      %sign3A_36 = arith.constant 0 : i32
      %sign3A_37 = arith.cmpi slt, %jit3A, %sign3A_36 : i32
      %sign3A_38 = arith.extui %sign3A_37 : i1 to i32
      %sign3A_39 = arith.subi %sign3A_35, %sign3A_38 : i32
      %ne3A = arith.cmpi ne, %sign3A_32, %sign3A_39 : i32
      %rem3A = arith.remsi %add3A_26, %jit3A : i32
      %ne3A_40 = arith.constant 0 : i32
      %ne3A_41 = arith.cmpi ne, %rem3A, %ne3A_40 : i32
      %and3A = arith.andi %ne3A, %ne3A_41 : i1
      %sub3A_42 = arith.constant 1 : i32
      %sub3A_43 = arith.subi %div3A, %sub3A_42 : i32
      %select_n3A = arith.select %and3A, %sub3A_43, %div3A : i32
      %mul3A_44 = arith.constant 16 : i32
      %mul3A_45 = arith.muli %select_n3A, %mul3A_44 : i32
      %sub3A_46 = arith.subi %add3A_26, %mul3A_45 : i32
      %dma_start3A = arith.constant 0 : i32
      %dma_start3A_47 = tpu.memref_slice %arg3[%select_n3A, %sub3A_46, %dma_start3A] : memref<26x16x100000xf32, #tpu.memory_space<hbm>> -> memref<1x1x100000xf32, #tpu.memory_space<hbm>>
      %dma_start3A_48 = tpu.memref_squeeze %dma_start3A_47 : memref<1x1x100000xf32, #tpu.memory_space<hbm>> -> memref<100000xf32, #tpu.memory_space<hbm>>
      %dma_start3A_49 = arith.constant 0 : i32
      %dma_start3A_50 = tpu.memref_slice %arg3[%select_n3A, %sub3A_46, %dma_start3A_49] : memref<26x16x100000xf32, #tpu.memory_space<hbm>> -> memref<1x1x100000xf32, #tpu.memory_space<hbm>>
      %dma_start3A_51 = tpu.memref_squeeze %dma_start3A_50 : memref<1x1x100000xf32, #tpu.memory_space<hbm>> -> memref<100000xf32, #tpu.memory_space<hbm>>
      tpu.enqueue_dma source(%dma_start3A_51 : memref<100000xf32, #tpu.memory_space<hbm>>) target(%arg5 : memref<100000xf32, #tpu.memory_space<vmem>>) target_semaphore(%arg9 : memref<!tpu.dma_semaphore, #tpu.memory_space<semaphore_mem>>)
      %mul3A_52 = arith.constant 128 : i32
      %mul3A_53 = arith.muli %select_n3A, %mul3A_52 : i32
      %add3A_54 = arith.constant 0 : i32
      %add3A_55 = arith.addi %mul3A_53, %add3A_54 : i32
      %dma_start3A_56 = arith.constant 0 : i32
      %dma_start3A_57 = tpu.memref_slice %arg2[%add3A_55, %dma_start3A_56] : memref<3328x128xi32, #tpu.memory_space<hbm>> -> memref<32x128xi32, #tpu.memory_space<hbm>>
      %dma_start3A_58 = arith.constant 0 : i32
      %dma_start3A_59 = tpu.memref_slice %arg2[%add3A_55, %dma_start3A_58] : memref<3328x128xi32, #tpu.memory_space<hbm>> -> memref<32x128xi32, #tpu.memory_space<hbm>>
      tpu.enqueue_dma source(%dma_start3A_59 : memref<32x128xi32, #tpu.memory_space<hbm>>) target(%arg6 : memref<32x128xi32, #tpu.memory_space<vmem>>) target_semaphore(%arg10 : memref<!tpu.dma_semaphore, #tpu.memory_space<semaphore_mem>>)
      %mul3A_60 = arith.constant 128 : i32
      %mul3A_61 = arith.muli %select_n3A, %mul3A_60 : i32
      %add3A_62 = arith.constant 32 : i32
      %add3A_63 = arith.addi %mul3A_61, %add3A_62 : i32
      %dma_start3A_64 = arith.constant 0 : i32
      %dma_start3A_65 = tpu.memref_slice %arg2[%add3A_63, %dma_start3A_64] : memref<3328x128xi32, #tpu.memory_space<hbm>> -> memref<32x128xi32, #tpu.memory_space<hbm>>
      %dma_start3A_66 = arith.constant 0 : i32
      %dma_start3A_67 = tpu.memref_slice %arg2[%add3A_63, %dma_start3A_66] : memref<3328x128xi32, #tpu.memory_space<hbm>> -> memref<32x128xi32, #tpu.memory_space<hbm>>
      tpu.enqueue_dma source(%dma_start3A_67 : memref<32x128xi32, #tpu.memory_space<hbm>>) target(%arg7 : memref<32x128xi32, #tpu.memory_space<vmem>>) target_semaphore(%arg11 : memref<!tpu.dma_semaphore, #tpu.memory_space<semaphore_mem>>)
      %gt3A = arith.constant 0 : i32
      %gt3A_68 = arith.cmpi sgt, %add3A_21, %gt3A : i32
      %convert_element_type3A = arith.extui %gt3A_68 : i1 to i32
      %cond3A = arith.constant 0 : i32
      %cond3A_69 = arith.cmpi ne, %convert_element_type3A, %cond3A : i32
      scf.if %cond3A_69 {
        %sub3A_152 = arith.constant 1 : i32
        %sub3A_153 = arith.subi %add3A_24, %sub3A_152 : i32
        %dma_wait3A_154 = arith.constant 0 : i32
        %dma_wait3A_155 = arith.constant 0 : i32
        %dma_wait3A_156 = tpu.memref_slice %arg4[%sub3A_153, %dma_wait3A_154, %dma_wait3A_155] : memref<416x128x128xf32, #tpu.memory_space<hbm>> -> memref<1x128x128xf32, #tpu.memory_space<hbm>>
        %dma_wait3A_157 = tpu.memref_squeeze %dma_wait3A_156 : memref<1x128x128xf32, #tpu.memory_space<hbm>> -> memref<128x128xf32, #tpu.memory_space<hbm>>
        %dma_wait3A_158 = arith.constant 0 : i32
        %dma_wait3A_159 = arith.constant 0 : i32
        %dma_wait3A_160 = tpu.memref_slice %arg4[%sub3A_153, %dma_wait3A_158, %dma_wait3A_159] : memref<416x128x128xf32, #tpu.memory_space<hbm>> -> memref<1x128x128xf32, #tpu.memory_space<hbm>>
        %dma_wait3A_161 = tpu.memref_squeeze %dma_wait3A_160 : memref<1x128x128xf32, #tpu.memory_space<hbm>> -> memref<128x128xf32, #tpu.memory_space<hbm>>
        tpu.wait_dma2 semaphore(%arg12 : memref<!tpu.dma_semaphore, #tpu.memory_space<semaphore_mem>>) src(%arg8 : memref<128x128xf32, #tpu.memory_space<vmem>>) dst(%dma_wait3A_161 : memref<128x128xf32, #tpu.memory_space<hbm>>)
      } else {
      }
      %dma_wait3A_70 = arith.constant 0 : i32
      %dma_wait3A_71 = tpu.memref_slice %arg3[%select_n3A, %sub3A_46, %dma_wait3A_70] : memref<26x16x100000xf32, #tpu.memory_space<hbm>> -> memref<1x1x100000xf32, #tpu.memory_space<hbm>>
      %dma_wait3A_72 = tpu.memref_squeeze %dma_wait3A_71 : memref<1x1x100000xf32, #tpu.memory_space<hbm>> -> memref<100000xf32, #tpu.memory_space<hbm>>
      %dma_wait3A_73 = arith.constant 0 : i32
      %dma_wait3A_74 = tpu.memref_slice %arg3[%select_n3A, %sub3A_46, %dma_wait3A_73] : memref<26x16x100000xf32, #tpu.memory_space<hbm>> -> memref<1x1x100000xf32, #tpu.memory_space<hbm>>
      %dma_wait3A_75 = tpu.memref_squeeze %dma_wait3A_74 : memref<1x1x100000xf32, #tpu.memory_space<hbm>> -> memref<100000xf32, #tpu.memory_space<hbm>>
      tpu.wait_dma2 semaphore(%arg9 : memref<!tpu.dma_semaphore, #tpu.memory_space<semaphore_mem>>) src(%dma_wait3A_75 : memref<100000xf32, #tpu.memory_space<hbm>>) dst(%arg5 : memref<100000xf32, #tpu.memory_space<vmem>>)
      %mul3A_76 = arith.constant 128 : i32
      %mul3A_77 = arith.muli %select_n3A, %mul3A_76 : i32
      %add3A_78 = arith.constant 0 : i32
      %add3A_79 = arith.addi %mul3A_77, %add3A_78 : i32
      %dma_wait3A_80 = arith.constant 0 : i32
      %dma_wait3A_81 = tpu.memref_slice %arg2[%add3A_79, %dma_wait3A_80] : memref<3328x128xi32, #tpu.memory_space<hbm>> -> memref<32x128xi32, #tpu.memory_space<hbm>>
      %dma_wait3A_82 = arith.constant 0 : i32
      %dma_wait3A_83 = tpu.memref_slice %arg2[%add3A_79, %dma_wait3A_82] : memref<3328x128xi32, #tpu.memory_space<hbm>> -> memref<32x128xi32, #tpu.memory_space<hbm>>
      tpu.wait_dma2 semaphore(%arg10 : memref<!tpu.dma_semaphore, #tpu.memory_space<semaphore_mem>>) src(%dma_wait3A_83 : memref<32x128xi32, #tpu.memory_space<hbm>>) dst(%arg6 : memref<32x128xi32, #tpu.memory_space<vmem>>)
      %scan3A_84 = arith.constant 0 : i32
      %scan3A_85 = arith.constant 32 : i32
      %scan3A_86 = arith.addi %scan3A_84, %scan3A_85 : i32
      %scan3A_87 = arith.constant 1 : i32
      scf.for %scan3A_152 = %scan3A_84 to %scan3A_86 step %scan3A_87  : i32 {
        %mul3A_153 = arith.constant 1 : i32
        %mul3A_154 = arith.muli %scan3A_152, %mul3A_153 : i32
        %add3A_155 = arith.constant 0 : i32
        %add3A_156 = arith.addi %add3A_155, %mul3A_154 : i32
        %get3A = arith.index_cast %add3A_156 : i32 to index
        %get3A_157 = arith.constant 0 : index
        %get3A_158 = tpu.vector_load %arg6[%get3A, %get3A_157] {strides = array<i32>} : memref<32x128xi32, #tpu.memory_space<vmem>>, vector<16xi32>,
        %gather3A = tpu.vector_load_idx %arg5[%get3A_158] : memref<100000xf32, #tpu.memory_space<vmem>>[vector<16xi32>], vector<16xf32>,
        %add3A_159 = arith.constant 0 : i32
        %add3A_160 = arith.addi %add3A_159, %add3A_156 : i32
        %swap3A = arith.index_cast %add3A_160 : i32 to index
        %swap3A_161 = arith.constant 0 : index
        %swap3A_162 = tpu.vector_load %arg8[%swap3A, %swap3A_161] {strides = array<i32>} : memref<128x128xf32, #tpu.memory_space<vmem>>, vector<16xf32>,
        tpu.vector_store %arg8[%swap3A, %swap3A_161], %gather3A {strides = array<i32>} : memref<128x128xf32, #tpu.memory_space<vmem>>, vector<16xf32>,
        %get3A_163 = arith.index_cast %add3A_156 : i32 to index
        %get3A_164 = arith.constant 16 : index
        %get3A_165 = tpu.vector_load %arg6[%get3A_163, %get3A_164] {strides = array<i32>} : memref<32x128xi32, #tpu.memory_space<vmem>>, vector<16xi32>,
        %gather3A_166 = tpu.vector_load_idx %arg5[%get3A_165] : memref<100000xf32, #tpu.memory_space<vmem>>[vector<16xi32>], vector<16xf32>,
        %add3A_167 = arith.constant 0 : i32
        %add3A_168 = arith.addi %add3A_167, %add3A_156 : i32
        %swap3A_169 = arith.index_cast %add3A_168 : i32 to index
        %swap3A_170 = arith.constant 16 : index
        %swap3A_171 = tpu.vector_load %arg8[%swap3A_169, %swap3A_170] {strides = array<i32>} : memref<128x128xf32, #tpu.memory_space<vmem>>, vector<16xf32>,
        tpu.vector_store %arg8[%swap3A_169, %swap3A_170], %gather3A_166 {strides = array<i32>} : memref<128x128xf32, #tpu.memory_space<vmem>>, vector<16xf32>,
        %get3A_172 = arith.index_cast %add3A_156 : i32 to index
        %get3A_173 = arith.constant 32 : index
        %get3A_174 = tpu.vector_load %arg6[%get3A_172, %get3A_173] {strides = array<i32>} : memref<32x128xi32, #tpu.memory_space<vmem>>, vector<16xi32>,
        %gather3A_175 = tpu.vector_load_idx %arg5[%get3A_174] : memref<100000xf32, #tpu.memory_space<vmem>>[vector<16xi32>], vector<16xf32>,
        %add3A_176 = arith.constant 0 : i32
        %add3A_177 = arith.addi %add3A_176, %add3A_156 : i32
        %swap3A_178 = arith.index_cast %add3A_177 : i32 to index
        %swap3A_179 = arith.constant 32 : index
        %swap3A_180 = tpu.vector_load %arg8[%swap3A_178, %swap3A_179] {strides = array<i32>} : memref<128x128xf32, #tpu.memory_space<vmem>>, vector<16xf32>,
        tpu.vector_store %arg8[%swap3A_178, %swap3A_179], %gather3A_175 {strides = array<i32>} : memref<128x128xf32, #tpu.memory_space<vmem>>, vector<16xf32>,
        %get3A_181 = arith.index_cast %add3A_156 : i32 to index
        %get3A_182 = arith.constant 48 : index
        %get3A_183 = tpu.vector_load %arg6[%get3A_181, %get3A_182] {strides = array<i32>} : memref<32x128xi32, #tpu.memory_space<vmem>>, vector<16xi32>,
        %gather3A_184 = tpu.vector_load_idx %arg5[%get3A_183] : memref<100000xf32, #tpu.memory_space<vmem>>[vector<16xi32>], vector<16xf32>,
        %add3A_185 = arith.constant 0 : i32
        %add3A_186 = arith.addi %add3A_185, %add3A_156 : i32
        %swap3A_187 = arith.index_cast %add3A_186 : i32 to index
        %swap3A_188 = arith.constant 48 : index
        %swap3A_189 = tpu.vector_load %arg8[%swap3A_187, %swap3A_188] {strides = array<i32>} : memref<128x128xf32, #tpu.memory_space<vmem>>, vector<16xf32>,
        tpu.vector_store %arg8[%swap3A_187, %swap3A_188], %gather3A_184 {strides = array<i32>} : memref<128x128xf32, #tpu.memory_space<vmem>>, vector<16xf32>,
        %get3A_190 = arith.index_cast %add3A_156 : i32 to index
        %get3A_191 = arith.constant 64 : index
        %get3A_192 = tpu.vector_load %arg6[%get3A_190, %get3A_191] {strides = array<i32>} : memref<32x128xi32, #tpu.memory_space<vmem>>, vector<16xi32>,
        %gather3A_193 = tpu.vector_load_idx %arg5[%get3A_192] : memref<100000xf32, #tpu.memory_space<vmem>>[vector<16xi32>], vector<16xf32>,
        %add3A_194 = arith.constant 0 : i32
        %add3A_195 = arith.addi %add3A_194, %add3A_156 : i32
        %swap3A_196 = arith.index_cast %add3A_195 : i32 to index
        %swap3A_197 = arith.constant 64 : index
        %swap3A_198 = tpu.vector_load %arg8[%swap3A_196, %swap3A_197] {strides = array<i32>} : memref<128x128xf32, #tpu.memory_space<vmem>>, vector<16xf32>,
        tpu.vector_store %arg8[%swap3A_196, %swap3A_197], %gather3A_193 {strides = array<i32>} : memref<128x128xf32, #tpu.memory_space<vmem>>, vector<16xf32>,
        %get3A_199 = arith.index_cast %add3A_156 : i32 to index
        %get3A_200 = arith.constant 80 : index
        %get3A_201 = tpu.vector_load %arg6[%get3A_199, %get3A_200] {strides = array<i32>} : memref<32x128xi32, #tpu.memory_space<vmem>>, vector<16xi32>,
        %gather3A_202 = tpu.vector_load_idx %arg5[%get3A_201] : memref<100000xf32, #tpu.memory_space<vmem>>[vector<16xi32>], vector<16xf32>,
        %add3A_203 = arith.constant 0 : i32
        %add3A_204 = arith.addi %add3A_203, %add3A_156 : i32
        %swap3A_205 = arith.index_cast %add3A_204 : i32 to index
        %swap3A_206 = arith.constant 80 : index
        %swap3A_207 = tpu.vector_load %arg8[%swap3A_205, %swap3A_206] {strides = array<i32>} : memref<128x128xf32, #tpu.memory_space<vmem>>, vector<16xf32>,
        tpu.vector_store %arg8[%swap3A_205, %swap3A_206], %gather3A_202 {strides = array<i32>} : memref<128x128xf32, #tpu.memory_space<vmem>>, vector<16xf32>,
        %get3A_208 = arith.index_cast %add3A_156 : i32 to index
        %get3A_209 = arith.constant 96 : index
        %get3A_210 = tpu.vector_load %arg6[%get3A_208, %get3A_209] {strides = array<i32>} : memref<32x128xi32, #tpu.memory_space<vmem>>, vector<16xi32>,
        %gather3A_211 = tpu.vector_load_idx %arg5[%get3A_210] : memref<100000xf32, #tpu.memory_space<vmem>>[vector<16xi32>], vector<16xf32>,
        %add3A_212 = arith.constant 0 : i32
        %add3A_213 = arith.addi %add3A_212, %add3A_156 : i32
        %swap3A_214 = arith.index_cast %add3A_213 : i32 to index
        %swap3A_215 = arith.constant 96 : index
        %swap3A_216 = tpu.vector_load %arg8[%swap3A_214, %swap3A_215] {strides = array<i32>} : memref<128x128xf32, #tpu.memory_space<vmem>>, vector<16xf32>,
        tpu.vector_store %arg8[%swap3A_214, %swap3A_215], %gather3A_211 {strides = array<i32>} : memref<128x128xf32, #tpu.memory_space<vmem>>, vector<16xf32>,
        %get3A_217 = arith.index_cast %add3A_156 : i32 to index
        %get3A_218 = arith.constant 112 : index
        %get3A_219 = tpu.vector_load %arg6[%get3A_217, %get3A_218] {strides = array<i32>} : memref<32x128xi32, #tpu.memory_space<vmem>>, vector<16xi32>,
        %gather3A_220 = tpu.vector_load_idx %arg5[%get3A_219] : memref<100000xf32, #tpu.memory_space<vmem>>[vector<16xi32>], vector<16xf32>,
        %add3A_221 = arith.constant 0 : i32
        %add3A_222 = arith.addi %add3A_221, %add3A_156 : i32
        %swap3A_223 = arith.index_cast %add3A_222 : i32 to index
        %swap3A_224 = arith.constant 112 : index
        %swap3A_225 = tpu.vector_load %arg8[%swap3A_223, %swap3A_224] {strides = array<i32>} : memref<128x128xf32, #tpu.memory_space<vmem>>, vector<16xf32>,
        tpu.vector_store %arg8[%swap3A_223, %swap3A_224], %gather3A_220 {strides = array<i32>} : memref<128x128xf32, #tpu.memory_space<vmem>>, vector<16xf32>,
      }
      %scan3A_88 = arith.constant 32 : i32
      %mul3A_89 = arith.constant 128 : i32
      %mul3A_90 = arith.muli %select_n3A, %mul3A_89 : i32
      %add3A_91 = arith.constant 64 : i32
      %add3A_92 = arith.addi %mul3A_90, %add3A_91 : i32
      %dma_start3A_93 = arith.constant 0 : i32
      %dma_start3A_94 = tpu.memref_slice %arg2[%add3A_92, %dma_start3A_93] : memref<3328x128xi32, #tpu.memory_space<hbm>> -> memref<32x128xi32, #tpu.memory_space<hbm>>
      %dma_start3A_95 = arith.constant 0 : i32
      %dma_start3A_96 = tpu.memref_slice %arg2[%add3A_92, %dma_start3A_95] : memref<3328x128xi32, #tpu.memory_space<hbm>> -> memref<32x128xi32, #tpu.memory_space<hbm>>
      tpu.enqueue_dma source(%dma_start3A_96 : memref<32x128xi32, #tpu.memory_space<hbm>>) target(%arg6 : memref<32x128xi32, #tpu.memory_space<vmem>>) target_semaphore(%arg10 : memref<!tpu.dma_semaphore, #tpu.memory_space<semaphore_mem>>)
      %mul3A_97 = arith.constant 128 : i32
      %mul3A_98 = arith.muli %select_n3A, %mul3A_97 : i32
      %add3A_99 = arith.constant 32 : i32
      %add3A_100 = arith.addi %mul3A_98, %add3A_99 : i32
      %dma_wait3A_101 = arith.constant 0 : i32
      %dma_wait3A_102 = tpu.memref_slice %arg2[%add3A_100, %dma_wait3A_101] : memref<3328x128xi32, #tpu.memory_space<hbm>> -> memref<32x128xi32, #tpu.memory_space<hbm>>
      %dma_wait3A_103 = arith.constant 0 : i32
      %dma_wait3A_104 = tpu.memref_slice %arg2[%add3A_100, %dma_wait3A_103] : memref<3328x128xi32, #tpu.memory_space<hbm>> -> memref<32x128xi32, #tpu.memory_space<hbm>>
      tpu.wait_dma2 semaphore(%arg11 : memref<!tpu.dma_semaphore, #tpu.memory_space<semaphore_mem>>) src(%dma_wait3A_104 : memref<32x128xi32, #tpu.memory_space<hbm>>) dst(%arg7 : memref<32x128xi32, #tpu.memory_space<vmem>>)
      %scan3A_105 = arith.constant 0 : i32
      %scan3A_106 = arith.constant 32 : i32
      %scan3A_107 = arith.addi %scan3A_105, %scan3A_106 : i32
      %scan3A_108 = arith.constant 1 : i32
      scf.for %scan3A_152 = %scan3A_105 to %scan3A_107 step %scan3A_108  : i32 {
        %mul3A_153 = arith.constant 1 : i32
        %mul3A_154 = arith.muli %scan3A_152, %mul3A_153 : i32
        %add3A_155 = arith.constant 0 : i32
        %add3A_156 = arith.addi %add3A_155, %mul3A_154 : i32
        %get3A = arith.index_cast %add3A_156 : i32 to index
        %get3A_157 = arith.constant 0 : index
        %get3A_158 = tpu.vector_load %arg7[%get3A, %get3A_157] {strides = array<i32>} : memref<32x128xi32, #tpu.memory_space<vmem>>, vector<16xi32>,
        %gather3A = tpu.vector_load_idx %arg5[%get3A_158] : memref<100000xf32, #tpu.memory_space<vmem>>[vector<16xi32>], vector<16xf32>,
        %add3A_159 = arith.constant 32 : i32
        %add3A_160 = arith.addi %add3A_159, %add3A_156 : i32
        %swap3A = arith.index_cast %add3A_160 : i32 to index
        %swap3A_161 = arith.constant 0 : index
        %swap3A_162 = tpu.vector_load %arg8[%swap3A, %swap3A_161] {strides = array<i32>} : memref<128x128xf32, #tpu.memory_space<vmem>>, vector<16xf32>,
        tpu.vector_store %arg8[%swap3A, %swap3A_161], %gather3A {strides = array<i32>} : memref<128x128xf32, #tpu.memory_space<vmem>>, vector<16xf32>,
        %get3A_163 = arith.index_cast %add3A_156 : i32 to index
        %get3A_164 = arith.constant 16 : index
        %get3A_165 = tpu.vector_load %arg7[%get3A_163, %get3A_164] {strides = array<i32>} : memref<32x128xi32, #tpu.memory_space<vmem>>, vector<16xi32>,
        %gather3A_166 = tpu.vector_load_idx %arg5[%get3A_165] : memref<100000xf32, #tpu.memory_space<vmem>>[vector<16xi32>], vector<16xf32>,
        %add3A_167 = arith.constant 32 : i32
        %add3A_168 = arith.addi %add3A_167, %add3A_156 : i32
        %swap3A_169 = arith.index_cast %add3A_168 : i32 to index
        %swap3A_170 = arith.constant 16 : index
        %swap3A_171 = tpu.vector_load %arg8[%swap3A_169, %swap3A_170] {strides = array<i32>} : memref<128x128xf32, #tpu.memory_space<vmem>>, vector<16xf32>,
        tpu.vector_store %arg8[%swap3A_169, %swap3A_170], %gather3A_166 {strides = array<i32>} : memref<128x128xf32, #tpu.memory_space<vmem>>, vector<16xf32>,
        %get3A_172 = arith.index_cast %add3A_156 : i32 to index
        %get3A_173 = arith.constant 32 : index
        %get3A_174 = tpu.vector_load %arg7[%get3A_172, %get3A_173] {strides = array<i32>} : memref<32x128xi32, #tpu.memory_space<vmem>>, vector<16xi32>,
        %gather3A_175 = tpu.vector_load_idx %arg5[%get3A_174] : memref<100000xf32, #tpu.memory_space<vmem>>[vector<16xi32>], vector<16xf32>,
        %add3A_176 = arith.constant 32 : i32
        %add3A_177 = arith.addi %add3A_176, %add3A_156 : i32
        %swap3A_178 = arith.index_cast %add3A_177 : i32 to index
        %swap3A_179 = arith.constant 32 : index
        %swap3A_180 = tpu.vector_load %arg8[%swap3A_178, %swap3A_179] {strides = array<i32>} : memref<128x128xf32, #tpu.memory_space<vmem>>, vector<16xf32>,
        tpu.vector_store %arg8[%swap3A_178, %swap3A_179], %gather3A_175 {strides = array<i32>} : memref<128x128xf32, #tpu.memory_space<vmem>>, vector<16xf32>,
        %get3A_181 = arith.index_cast %add3A_156 : i32 to index
        %get3A_182 = arith.constant 48 : index
        %get3A_183 = tpu.vector_load %arg7[%get3A_181, %get3A_182] {strides = array<i32>} : memref<32x128xi32, #tpu.memory_space<vmem>>, vector<16xi32>,
        %gather3A_184 = tpu.vector_load_idx %arg5[%get3A_183] : memref<100000xf32, #tpu.memory_space<vmem>>[vector<16xi32>], vector<16xf32>,
        %add3A_185 = arith.constant 32 : i32
        %add3A_186 = arith.addi %add3A_185, %add3A_156 : i32
        %swap3A_187 = arith.index_cast %add3A_186 : i32 to index
        %swap3A_188 = arith.constant 48 : index
        %swap3A_189 = tpu.vector_load %arg8[%swap3A_187, %swap3A_188] {strides = array<i32>} : memref<128x128xf32, #tpu.memory_space<vmem>>, vector<16xf32>,
        tpu.vector_store %arg8[%swap3A_187, %swap3A_188], %gather3A_184 {strides = array<i32>} : memref<128x128xf32, #tpu.memory_space<vmem>>, vector<16xf32>,
        %get3A_190 = arith.index_cast %add3A_156 : i32 to index
        %get3A_191 = arith.constant 64 : index
        %get3A_192 = tpu.vector_load %arg7[%get3A_190, %get3A_191] {strides = array<i32>} : memref<32x128xi32, #tpu.memory_space<vmem>>, vector<16xi32>,
        %gather3A_193 = tpu.vector_load_idx %arg5[%get3A_192] : memref<100000xf32, #tpu.memory_space<vmem>>[vector<16xi32>], vector<16xf32>,
        %add3A_194 = arith.constant 32 : i32
        %add3A_195 = arith.addi %add3A_194, %add3A_156 : i32
        %swap3A_196 = arith.index_cast %add3A_195 : i32 to index
        %swap3A_197 = arith.constant 64 : index
        %swap3A_198 = tpu.vector_load %arg8[%swap3A_196, %swap3A_197] {strides = array<i32>} : memref<128x128xf32, #tpu.memory_space<vmem>>, vector<16xf32>,
        tpu.vector_store %arg8[%swap3A_196, %swap3A_197], %gather3A_193 {strides = array<i32>} : memref<128x128xf32, #tpu.memory_space<vmem>>, vector<16xf32>,
        %get3A_199 = arith.index_cast %add3A_156 : i32 to index
        %get3A_200 = arith.constant 80 : index
        %get3A_201 = tpu.vector_load %arg7[%get3A_199, %get3A_200] {strides = array<i32>} : memref<32x128xi32, #tpu.memory_space<vmem>>, vector<16xi32>,
        %gather3A_202 = tpu.vector_load_idx %arg5[%get3A_201] : memref<100000xf32, #tpu.memory_space<vmem>>[vector<16xi32>], vector<16xf32>,
        %add3A_203 = arith.constant 32 : i32
        %add3A_204 = arith.addi %add3A_203, %add3A_156 : i32
        %swap3A_205 = arith.index_cast %add3A_204 : i32 to index
        %swap3A_206 = arith.constant 80 : index
        %swap3A_207 = tpu.vector_load %arg8[%swap3A_205, %swap3A_206] {strides = array<i32>} : memref<128x128xf32, #tpu.memory_space<vmem>>, vector<16xf32>,
        tpu.vector_store %arg8[%swap3A_205, %swap3A_206], %gather3A_202 {strides = array<i32>} : memref<128x128xf32, #tpu.memory_space<vmem>>, vector<16xf32>,
        %get3A_208 = arith.index_cast %add3A_156 : i32 to index
        %get3A_209 = arith.constant 96 : index
        %get3A_210 = tpu.vector_load %arg7[%get3A_208, %get3A_209] {strides = array<i32>} : memref<32x128xi32, #tpu.memory_space<vmem>>, vector<16xi32>,
        %gather3A_211 = tpu.vector_load_idx %arg5[%get3A_210] : memref<100000xf32, #tpu.memory_space<vmem>>[vector<16xi32>], vector<16xf32>,
        %add3A_212 = arith.constant 32 : i32
        %add3A_213 = arith.addi %add3A_212, %add3A_156 : i32
        %swap3A_214 = arith.index_cast %add3A_213 : i32 to index
        %swap3A_215 = arith.constant 96 : index
        %swap3A_216 = tpu.vector_load %arg8[%swap3A_214, %swap3A_215] {strides = array<i32>} : memref<128x128xf32, #tpu.memory_space<vmem>>, vector<16xf32>,
        tpu.vector_store %arg8[%swap3A_214, %swap3A_215], %gather3A_211 {strides = array<i32>} : memref<128x128xf32, #tpu.memory_space<vmem>>, vector<16xf32>,
        %get3A_217 = arith.index_cast %add3A_156 : i32 to index
        %get3A_218 = arith.constant 112 : index
        %get3A_219 = tpu.vector_load %arg7[%get3A_217, %get3A_218] {strides = array<i32>} : memref<32x128xi32, #tpu.memory_space<vmem>>, vector<16xi32>,
        %gather3A_220 = tpu.vector_load_idx %arg5[%get3A_219] : memref<100000xf32, #tpu.memory_space<vmem>>[vector<16xi32>], vector<16xf32>,
        %add3A_221 = arith.constant 32 : i32
        %add3A_222 = arith.addi %add3A_221, %add3A_156 : i32
        %swap3A_223 = arith.index_cast %add3A_222 : i32 to index
        %swap3A_224 = arith.constant 112 : index
        %swap3A_225 = tpu.vector_load %arg8[%swap3A_223, %swap3A_224] {strides = array<i32>} : memref<128x128xf32, #tpu.memory_space<vmem>>, vector<16xf32>,
        tpu.vector_store %arg8[%swap3A_223, %swap3A_224], %gather3A_220 {strides = array<i32>} : memref<128x128xf32, #tpu.memory_space<vmem>>, vector<16xf32>,
      }
      %scan3A_109 = arith.constant 32 : i32
      %mul3A_110 = arith.constant 128 : i32
      %mul3A_111 = arith.muli %select_n3A, %mul3A_110 : i32
      %add3A_112 = arith.constant 96 : i32
      %add3A_113 = arith.addi %mul3A_111, %add3A_112 : i32
      %dma_start3A_114 = arith.constant 0 : i32
      %dma_start3A_115 = tpu.memref_slice %arg2[%add3A_113, %dma_start3A_114] : memref<3328x128xi32, #tpu.memory_space<hbm>> -> memref<32x128xi32, #tpu.memory_space<hbm>>
      %dma_start3A_116 = arith.constant 0 : i32
      %dma_start3A_117 = tpu.memref_slice %arg2[%add3A_113, %dma_start3A_116] : memref<3328x128xi32, #tpu.memory_space<hbm>> -> memref<32x128xi32, #tpu.memory_space<hbm>>
      tpu.enqueue_dma source(%dma_start3A_117 : memref<32x128xi32, #tpu.memory_space<hbm>>) target(%arg7 : memref<32x128xi32, #tpu.memory_space<vmem>>) target_semaphore(%arg11 : memref<!tpu.dma_semaphore, #tpu.memory_space<semaphore_mem>>)
      %mul3A_118 = arith.constant 128 : i32
      %mul3A_119 = arith.muli %select_n3A, %mul3A_118 : i32
      %add3A_120 = arith.constant 64 : i32
      %add3A_121 = arith.addi %mul3A_119, %add3A_120 : i32
      %dma_wait3A_122 = arith.constant 0 : i32
      %dma_wait3A_123 = tpu.memref_slice %arg2[%add3A_121, %dma_wait3A_122] : memref<3328x128xi32, #tpu.memory_space<hbm>> -> memref<32x128xi32, #tpu.memory_space<hbm>>
      %dma_wait3A_124 = arith.constant 0 : i32
      %dma_wait3A_125 = tpu.memref_slice %arg2[%add3A_121, %dma_wait3A_124] : memref<3328x128xi32, #tpu.memory_space<hbm>> -> memref<32x128xi32, #tpu.memory_space<hbm>>
      tpu.wait_dma2 semaphore(%arg10 : memref<!tpu.dma_semaphore, #tpu.memory_space<semaphore_mem>>) src(%dma_wait3A_125 : memref<32x128xi32, #tpu.memory_space<hbm>>) dst(%arg6 : memref<32x128xi32, #tpu.memory_space<vmem>>)
      %scan3A_126 = arith.constant 0 : i32
      %scan3A_127 = arith.constant 32 : i32
      %scan3A_128 = arith.addi %scan3A_126, %scan3A_127 : i32
      %scan3A_129 = arith.constant 1 : i32
      scf.for %scan3A_152 = %scan3A_126 to %scan3A_128 step %scan3A_129  : i32 {
        %mul3A_153 = arith.constant 1 : i32
        %mul3A_154 = arith.muli %scan3A_152, %mul3A_153 : i32
        %add3A_155 = arith.constant 0 : i32
        %add3A_156 = arith.addi %add3A_155, %mul3A_154 : i32
        %get3A = arith.index_cast %add3A_156 : i32 to index
        %get3A_157 = arith.constant 0 : index
        %get3A_158 = tpu.vector_load %arg6[%get3A, %get3A_157] {strides = array<i32>} : memref<32x128xi32, #tpu.memory_space<vmem>>, vector<16xi32>,
        %gather3A = tpu.vector_load_idx %arg5[%get3A_158] : memref<100000xf32, #tpu.memory_space<vmem>>[vector<16xi32>], vector<16xf32>,
        %add3A_159 = arith.constant 64 : i32
        %add3A_160 = arith.addi %add3A_159, %add3A_156 : i32
        %swap3A = arith.index_cast %add3A_160 : i32 to index
        %swap3A_161 = arith.constant 0 : index
        %swap3A_162 = tpu.vector_load %arg8[%swap3A, %swap3A_161] {strides = array<i32>} : memref<128x128xf32, #tpu.memory_space<vmem>>, vector<16xf32>,
        tpu.vector_store %arg8[%swap3A, %swap3A_161], %gather3A {strides = array<i32>} : memref<128x128xf32, #tpu.memory_space<vmem>>, vector<16xf32>,
        %get3A_163 = arith.index_cast %add3A_156 : i32 to index
        %get3A_164 = arith.constant 16 : index
        %get3A_165 = tpu.vector_load %arg6[%get3A_163, %get3A_164] {strides = array<i32>} : memref<32x128xi32, #tpu.memory_space<vmem>>, vector<16xi32>,
        %gather3A_166 = tpu.vector_load_idx %arg5[%get3A_165] : memref<100000xf32, #tpu.memory_space<vmem>>[vector<16xi32>], vector<16xf32>,
        %add3A_167 = arith.constant 64 : i32
        %add3A_168 = arith.addi %add3A_167, %add3A_156 : i32
        %swap3A_169 = arith.index_cast %add3A_168 : i32 to index
        %swap3A_170 = arith.constant 16 : index
        %swap3A_171 = tpu.vector_load %arg8[%swap3A_169, %swap3A_170] {strides = array<i32>} : memref<128x128xf32, #tpu.memory_space<vmem>>, vector<16xf32>,
        tpu.vector_store %arg8[%swap3A_169, %swap3A_170], %gather3A_166 {strides = array<i32>} : memref<128x128xf32, #tpu.memory_space<vmem>>, vector<16xf32>,
        %get3A_172 = arith.index_cast %add3A_156 : i32 to index
        %get3A_173 = arith.constant 32 : index
        %get3A_174 = tpu.vector_load %arg6[%get3A_172, %get3A_173] {strides = array<i32>} : memref<32x128xi32, #tpu.memory_space<vmem>>, vector<16xi32>,
        %gather3A_175 = tpu.vector_load_idx %arg5[%get3A_174] : memref<100000xf32, #tpu.memory_space<vmem>>[vector<16xi32>], vector<16xf32>,
        %add3A_176 = arith.constant 64 : i32
        %add3A_177 = arith.addi %add3A_176, %add3A_156 : i32
        %swap3A_178 = arith.index_cast %add3A_177 : i32 to index
        %swap3A_179 = arith.constant 32 : index
        %swap3A_180 = tpu.vector_load %arg8[%swap3A_178, %swap3A_179] {strides = array<i32>} : memref<128x128xf32, #tpu.memory_space<vmem>>, vector<16xf32>,
        tpu.vector_store %arg8[%swap3A_178, %swap3A_179], %gather3A_175 {strides = array<i32>} : memref<128x128xf32, #tpu.memory_space<vmem>>, vector<16xf32>,
        %get3A_181 = arith.index_cast %add3A_156 : i32 to index
        %get3A_182 = arith.constant 48 : index
        %get3A_183 = tpu.vector_load %arg6[%get3A_181, %get3A_182] {strides = array<i32>} : memref<32x128xi32, #tpu.memory_space<vmem>>, vector<16xi32>,
        %gather3A_184 = tpu.vector_load_idx %arg5[%get3A_183] : memref<100000xf32, #tpu.memory_space<vmem>>[vector<16xi32>], vector<16xf32>,
        %add3A_185 = arith.constant 64 : i32
        %add3A_186 = arith.addi %add3A_185, %add3A_156 : i32
        %swap3A_187 = arith.index_cast %add3A_186 : i32 to index
        %swap3A_188 = arith.constant 48 : index
        %swap3A_189 = tpu.vector_load %arg8[%swap3A_187, %swap3A_188] {strides = array<i32>} : memref<128x128xf32, #tpu.memory_space<vmem>>, vector<16xf32>,
        tpu.vector_store %arg8[%swap3A_187, %swap3A_188], %gather3A_184 {strides = array<i32>} : memref<128x128xf32, #tpu.memory_space<vmem>>, vector<16xf32>,
        %get3A_190 = arith.index_cast %add3A_156 : i32 to index
        %get3A_191 = arith.constant 64 : index
        %get3A_192 = tpu.vector_load %arg6[%get3A_190, %get3A_191] {strides = array<i32>} : memref<32x128xi32, #tpu.memory_space<vmem>>, vector<16xi32>,
        %gather3A_193 = tpu.vector_load_idx %arg5[%get3A_192] : memref<100000xf32, #tpu.memory_space<vmem>>[vector<16xi32>], vector<16xf32>,
        %add3A_194 = arith.constant 64 : i32
        %add3A_195 = arith.addi %add3A_194, %add3A_156 : i32
        %swap3A_196 = arith.index_cast %add3A_195 : i32 to index
        %swap3A_197 = arith.constant 64 : index
        %swap3A_198 = tpu.vector_load %arg8[%swap3A_196, %swap3A_197] {strides = array<i32>} : memref<128x128xf32, #tpu.memory_space<vmem>>, vector<16xf32>,
        tpu.vector_store %arg8[%swap3A_196, %swap3A_197], %gather3A_193 {strides = array<i32>} : memref<128x128xf32, #tpu.memory_space<vmem>>, vector<16xf32>,
        %get3A_199 = arith.index_cast %add3A_156 : i32 to index
        %get3A_200 = arith.constant 80 : index
        %get3A_201 = tpu.vector_load %arg6[%get3A_199, %get3A_200] {strides = array<i32>} : memref<32x128xi32, #tpu.memory_space<vmem>>, vector<16xi32>,
        %gather3A_202 = tpu.vector_load_idx %arg5[%get3A_201] : memref<100000xf32, #tpu.memory_space<vmem>>[vector<16xi32>], vector<16xf32>,
        %add3A_203 = arith.constant 64 : i32
        %add3A_204 = arith.addi %add3A_203, %add3A_156 : i32
        %swap3A_205 = arith.index_cast %add3A_204 : i32 to index
        %swap3A_206 = arith.constant 80 : index
        %swap3A_207 = tpu.vector_load %arg8[%swap3A_205, %swap3A_206] {strides = array<i32>} : memref<128x128xf32, #tpu.memory_space<vmem>>, vector<16xf32>,
        tpu.vector_store %arg8[%swap3A_205, %swap3A_206], %gather3A_202 {strides = array<i32>} : memref<128x128xf32, #tpu.memory_space<vmem>>, vector<16xf32>,
        %get3A_208 = arith.index_cast %add3A_156 : i32 to index
        %get3A_209 = arith.constant 96 : index
        %get3A_210 = tpu.vector_load %arg6[%get3A_208, %get3A_209] {strides = array<i32>} : memref<32x128xi32, #tpu.memory_space<vmem>>, vector<16xi32>,
        %gather3A_211 = tpu.vector_load_idx %arg5[%get3A_210] : memref<100000xf32, #tpu.memory_space<vmem>>[vector<16xi32>], vector<16xf32>,
        %add3A_212 = arith.constant 64 : i32
        %add3A_213 = arith.addi %add3A_212, %add3A_156 : i32
        %swap3A_214 = arith.index_cast %add3A_213 : i32 to index
        %swap3A_215 = arith.constant 96 : index
        %swap3A_216 = tpu.vector_load %arg8[%swap3A_214, %swap3A_215] {strides = array<i32>} : memref<128x128xf32, #tpu.memory_space<vmem>>, vector<16xf32>,
        tpu.vector_store %arg8[%swap3A_214, %swap3A_215], %gather3A_211 {strides = array<i32>} : memref<128x128xf32, #tpu.memory_space<vmem>>, vector<16xf32>,
        %get3A_217 = arith.index_cast %add3A_156 : i32 to index
        %get3A_218 = arith.constant 112 : index
        %get3A_219 = tpu.vector_load %arg6[%get3A_217, %get3A_218] {strides = array<i32>} : memref<32x128xi32, #tpu.memory_space<vmem>>, vector<16xi32>,
        %gather3A_220 = tpu.vector_load_idx %arg5[%get3A_219] : memref<100000xf32, #tpu.memory_space<vmem>>[vector<16xi32>], vector<16xf32>,
        %add3A_221 = arith.constant 64 : i32
        %add3A_222 = arith.addi %add3A_221, %add3A_156 : i32
        %swap3A_223 = arith.index_cast %add3A_222 : i32 to index
        %swap3A_224 = arith.constant 112 : index
        %swap3A_225 = tpu.vector_load %arg8[%swap3A_223, %swap3A_224] {strides = array<i32>} : memref<128x128xf32, #tpu.memory_space<vmem>>, vector<16xf32>,
        tpu.vector_store %arg8[%swap3A_223, %swap3A_224], %gather3A_220 {strides = array<i32>} : memref<128x128xf32, #tpu.memory_space<vmem>>, vector<16xf32>,
      }
      %scan3A_130 = arith.constant 32 : i32
      %mul3A_131 = arith.constant 128 : i32
      %mul3A_132 = arith.muli %select_n3A, %mul3A_131 : i32
      %add3A_133 = arith.constant 96 : i32
      %add3A_134 = arith.addi %mul3A_132, %add3A_133 : i32
      %dma_wait3A_135 = arith.constant 0 : i32
      %dma_wait3A_136 = tpu.memref_slice %arg2[%add3A_134, %dma_wait3A_135] : memref<3328x128xi32, #tpu.memory_space<hbm>> -> memref<32x128xi32, #tpu.memory_space<hbm>>
      %dma_wait3A_137 = arith.constant 0 : i32
      %dma_wait3A_138 = tpu.memref_slice %arg2[%add3A_134, %dma_wait3A_137] : memref<3328x128xi32, #tpu.memory_space<hbm>> -> memref<32x128xi32, #tpu.memory_space<hbm>>
      tpu.wait_dma2 semaphore(%arg11 : memref<!tpu.dma_semaphore, #tpu.memory_space<semaphore_mem>>) src(%dma_wait3A_138 : memref<32x128xi32, #tpu.memory_space<hbm>>) dst(%arg7 : memref<32x128xi32, #tpu.memory_space<vmem>>)
      %scan3A_139 = arith.constant 0 : i32
      %scan3A_140 = arith.constant 32 : i32
      %scan3A_141 = arith.addi %scan3A_139, %scan3A_140 : i32
      %scan3A_142 = arith.constant 1 : i32
      scf.for %scan3A_152 = %scan3A_139 to %scan3A_141 step %scan3A_142  : i32 {
        %mul3A_153 = arith.constant 1 : i32
        %mul3A_154 = arith.muli %scan3A_152, %mul3A_153 : i32
        %add3A_155 = arith.constant 0 : i32
        %add3A_156 = arith.addi %add3A_155, %mul3A_154 : i32
        %get3A = arith.index_cast %add3A_156 : i32 to index
        %get3A_157 = arith.constant 0 : index
        %get3A_158 = tpu.vector_load %arg7[%get3A, %get3A_157] {strides = array<i32>} : memref<32x128xi32, #tpu.memory_space<vmem>>, vector<16xi32>,
        %gather3A = tpu.vector_load_idx %arg5[%get3A_158] : memref<100000xf32, #tpu.memory_space<vmem>>[vector<16xi32>], vector<16xf32>,
        %add3A_159 = arith.constant 96 : i32
        %add3A_160 = arith.addi %add3A_159, %add3A_156 : i32
        %swap3A = arith.index_cast %add3A_160 : i32 to index
        %swap3A_161 = arith.constant 0 : index
        %swap3A_162 = tpu.vector_load %arg8[%swap3A, %swap3A_161] {strides = array<i32>} : memref<128x128xf32, #tpu.memory_space<vmem>>, vector<16xf32>,
        tpu.vector_store %arg8[%swap3A, %swap3A_161], %gather3A {strides = array<i32>} : memref<128x128xf32, #tpu.memory_space<vmem>>, vector<16xf32>,
        %get3A_163 = arith.index_cast %add3A_156 : i32 to index
        %get3A_164 = arith.constant 16 : index
        %get3A_165 = tpu.vector_load %arg7[%get3A_163, %get3A_164] {strides = array<i32>} : memref<32x128xi32, #tpu.memory_space<vmem>>, vector<16xi32>,
        %gather3A_166 = tpu.vector_load_idx %arg5[%get3A_165] : memref<100000xf32, #tpu.memory_space<vmem>>[vector<16xi32>], vector<16xf32>,
        %add3A_167 = arith.constant 96 : i32
        %add3A_168 = arith.addi %add3A_167, %add3A_156 : i32
        %swap3A_169 = arith.index_cast %add3A_168 : i32 to index
        %swap3A_170 = arith.constant 16 : index
        %swap3A_171 = tpu.vector_load %arg8[%swap3A_169, %swap3A_170] {strides = array<i32>} : memref<128x128xf32, #tpu.memory_space<vmem>>, vector<16xf32>,
        tpu.vector_store %arg8[%swap3A_169, %swap3A_170], %gather3A_166 {strides = array<i32>} : memref<128x128xf32, #tpu.memory_space<vmem>>, vector<16xf32>,
        %get3A_172 = arith.index_cast %add3A_156 : i32 to index
        %get3A_173 = arith.constant 32 : index
        %get3A_174 = tpu.vector_load %arg7[%get3A_172, %get3A_173] {strides = array<i32>} : memref<32x128xi32, #tpu.memory_space<vmem>>, vector<16xi32>,
        %gather3A_175 = tpu.vector_load_idx %arg5[%get3A_174] : memref<100000xf32, #tpu.memory_space<vmem>>[vector<16xi32>], vector<16xf32>,
        %add3A_176 = arith.constant 96 : i32
        %add3A_177 = arith.addi %add3A_176, %add3A_156 : i32
        %swap3A_178 = arith.index_cast %add3A_177 : i32 to index
        %swap3A_179 = arith.constant 32 : index
        %swap3A_180 = tpu.vector_load %arg8[%swap3A_178, %swap3A_179] {strides = array<i32>} : memref<128x128xf32, #tpu.memory_space<vmem>>, vector<16xf32>,
        tpu.vector_store %arg8[%swap3A_178, %swap3A_179], %gather3A_175 {strides = array<i32>} : memref<128x128xf32, #tpu.memory_space<vmem>>, vector<16xf32>,
        %get3A_181 = arith.index_cast %add3A_156 : i32 to index
        %get3A_182 = arith.constant 48 : index
        %get3A_183 = tpu.vector_load %arg7[%get3A_181, %get3A_182] {strides = array<i32>} : memref<32x128xi32, #tpu.memory_space<vmem>>, vector<16xi32>,
        %gather3A_184 = tpu.vector_load_idx %arg5[%get3A_183] : memref<100000xf32, #tpu.memory_space<vmem>>[vector<16xi32>], vector<16xf32>,
        %add3A_185 = arith.constant 96 : i32
        %add3A_186 = arith.addi %add3A_185, %add3A_156 : i32
        %swap3A_187 = arith.index_cast %add3A_186 : i32 to index
        %swap3A_188 = arith.constant 48 : index
        %swap3A_189 = tpu.vector_load %arg8[%swap3A_187, %swap3A_188] {strides = array<i32>} : memref<128x128xf32, #tpu.memory_space<vmem>>, vector<16xf32>,
        tpu.vector_store %arg8[%swap3A_187, %swap3A_188], %gather3A_184 {strides = array<i32>} : memref<128x128xf32, #tpu.memory_space<vmem>>, vector<16xf32>,
        %get3A_190 = arith.index_cast %add3A_156 : i32 to index
        %get3A_191 = arith.constant 64 : index
        %get3A_192 = tpu.vector_load %arg7[%get3A_190, %get3A_191] {strides = array<i32>} : memref<32x128xi32, #tpu.memory_space<vmem>>, vector<16xi32>,
        %gather3A_193 = tpu.vector_load_idx %arg5[%get3A_192] : memref<100000xf32, #tpu.memory_space<vmem>>[vector<16xi32>], vector<16xf32>,
        %add3A_194 = arith.constant 96 : i32
        %add3A_195 = arith.addi %add3A_194, %add3A_156 : i32
        %swap3A_196 = arith.index_cast %add3A_195 : i32 to index
        %swap3A_197 = arith.constant 64 : index
        %swap3A_198 = tpu.vector_load %arg8[%swap3A_196, %swap3A_197] {strides = array<i32>} : memref<128x128xf32, #tpu.memory_space<vmem>>, vector<16xf32>,
        tpu.vector_store %arg8[%swap3A_196, %swap3A_197], %gather3A_193 {strides = array<i32>} : memref<128x128xf32, #tpu.memory_space<vmem>>, vector<16xf32>,
        %get3A_199 = arith.index_cast %add3A_156 : i32 to index
        %get3A_200 = arith.constant 80 : index
        %get3A_201 = tpu.vector_load %arg7[%get3A_199, %get3A_200] {strides = array<i32>} : memref<32x128xi32, #tpu.memory_space<vmem>>, vector<16xi32>,
        %gather3A_202 = tpu.vector_load_idx %arg5[%get3A_201] : memref<100000xf32, #tpu.memory_space<vmem>>[vector<16xi32>], vector<16xf32>,
        %add3A_203 = arith.constant 96 : i32
        %add3A_204 = arith.addi %add3A_203, %add3A_156 : i32
        %swap3A_205 = arith.index_cast %add3A_204 : i32 to index
        %swap3A_206 = arith.constant 80 : index
        %swap3A_207 = tpu.vector_load %arg8[%swap3A_205, %swap3A_206] {strides = array<i32>} : memref<128x128xf32, #tpu.memory_space<vmem>>, vector<16xf32>,
        tpu.vector_store %arg8[%swap3A_205, %swap3A_206], %gather3A_202 {strides = array<i32>} : memref<128x128xf32, #tpu.memory_space<vmem>>, vector<16xf32>,
        %get3A_208 = arith.index_cast %add3A_156 : i32 to index
        %get3A_209 = arith.constant 96 : index
        %get3A_210 = tpu.vector_load %arg7[%get3A_208, %get3A_209] {strides = array<i32>} : memref<32x128xi32, #tpu.memory_space<vmem>>, vector<16xi32>,
        %gather3A_211 = tpu.vector_load_idx %arg5[%get3A_210] : memref<100000xf32, #tpu.memory_space<vmem>>[vector<16xi32>], vector<16xf32>,
        %add3A_212 = arith.constant 96 : i32
        %add3A_213 = arith.addi %add3A_212, %add3A_156 : i32
        %swap3A_214 = arith.index_cast %add3A_213 : i32 to index
        %swap3A_215 = arith.constant 96 : index
        %swap3A_216 = tpu.vector_load %arg8[%swap3A_214, %swap3A_215] {strides = array<i32>} : memref<128x128xf32, #tpu.memory_space<vmem>>, vector<16xf32>,
        tpu.vector_store %arg8[%swap3A_214, %swap3A_215], %gather3A_211 {strides = array<i32>} : memref<128x128xf32, #tpu.memory_space<vmem>>, vector<16xf32>,
        %get3A_217 = arith.index_cast %add3A_156 : i32 to index
        %get3A_218 = arith.constant 112 : index
        %get3A_219 = tpu.vector_load %arg7[%get3A_217, %get3A_218] {strides = array<i32>} : memref<32x128xi32, #tpu.memory_space<vmem>>, vector<16xi32>,
        %gather3A_220 = tpu.vector_load_idx %arg5[%get3A_219] : memref<100000xf32, #tpu.memory_space<vmem>>[vector<16xi32>], vector<16xf32>,
        %add3A_221 = arith.constant 96 : i32
        %add3A_222 = arith.addi %add3A_221, %add3A_156 : i32
        %swap3A_223 = arith.index_cast %add3A_222 : i32 to index
        %swap3A_224 = arith.constant 112 : index
        %swap3A_225 = tpu.vector_load %arg8[%swap3A_223, %swap3A_224] {strides = array<i32>} : memref<128x128xf32, #tpu.memory_space<vmem>>, vector<16xf32>,
        tpu.vector_store %arg8[%swap3A_223, %swap3A_224], %gather3A_220 {strides = array<i32>} : memref<128x128xf32, #tpu.memory_space<vmem>>, vector<16xf32>,
      }
      %scan3A_143 = arith.constant 32 : i32
      %dma_start3A_144 = arith.constant 0 : i32
      %dma_start3A_145 = arith.constant 0 : i32
      %dma_start3A_146 = tpu.memref_slice %arg4[%add3A_24, %dma_start3A_144, %dma_start3A_145] : memref<416x128x128xf32, #tpu.memory_space<hbm>> -> memref<1x128x128xf32, #tpu.memory_space<hbm>>
      %dma_start3A_147 = tpu.memref_squeeze %dma_start3A_146 : memref<1x128x128xf32, #tpu.memory_space<hbm>> -> memref<128x128xf32, #tpu.memory_space<hbm>>
      %dma_start3A_148 = arith.constant 0 : i32
      %dma_start3A_149 = arith.constant 0 : i32
      %dma_start3A_150 = tpu.memref_slice %arg4[%add3A_24, %dma_start3A_148, %dma_start3A_149] : memref<416x128x128xf32, #tpu.memory_space<hbm>> -> memref<1x128x128xf32, #tpu.memory_space<hbm>>
      %dma_start3A_151 = tpu.memref_squeeze %dma_start3A_150 : memref<1x128x128xf32, #tpu.memory_space<hbm>> -> memref<128x128xf32, #tpu.memory_space<hbm>>
      tpu.enqueue_dma source(%arg8 : memref<128x128xf32, #tpu.memory_space<vmem>>) target(%dma_start3A_151 : memref<128x128xf32, #tpu.memory_space<hbm>>) target_semaphore(%arg12 : memref<!tpu.dma_semaphore, #tpu.memory_space<semaphore_mem>>)
    }
    %scan3A_4 = arith.constant 13 : i32
    %mul3A_5 = arith.constant 13 : i32
    %mul3A_6 = arith.muli %add3A, %mul3A_5 : i32
    %add3A_7 = arith.constant 13 : i32
    %add3A_8 = arith.addi %mul3A_6, %add3A_7 : i32
    %sub3A = arith.constant 1 : i32
    %sub3A_9 = arith.subi %add3A_8, %sub3A : i32
    %dma_wait3A = arith.constant 0 : i32
    %dma_wait3A_10 = arith.constant 0 : i32
    %dma_wait3A_11 = tpu.memref_slice %arg4[%sub3A_9, %dma_wait3A, %dma_wait3A_10] : memref<416x128x128xf32, #tpu.memory_space<hbm>> -> memref<1x128x128xf32, #tpu.memory_space<hbm>>
    %dma_wait3A_12 = tpu.memref_squeeze %dma_wait3A_11 : memref<1x128x128xf32, #tpu.memory_space<hbm>> -> memref<128x128xf32, #tpu.memory_space<hbm>>
    %dma_wait3A_13 = arith.constant 0 : i32
    %dma_wait3A_14 = arith.constant 0 : i32
    %dma_wait3A_15 = tpu.memref_slice %arg4[%sub3A_9, %dma_wait3A_13, %dma_wait3A_14] : memref<416x128x128xf32, #tpu.memory_space<hbm>> -> memref<1x128x128xf32, #tpu.memory_space<hbm>>
    %dma_wait3A_16 = tpu.memref_squeeze %dma_wait3A_15 : memref<1x128x128xf32, #tpu.memory_space<hbm>> -> memref<128x128xf32, #tpu.memory_space<hbm>>
    tpu.wait_dma2 semaphore(%arg12 : memref<!tpu.dma_semaphore, #tpu.memory_space<semaphore_mem>>) src(%arg8 : memref<128x128xf32, #tpu.memory_space<vmem>>) dst(%dma_wait3A_16 : memref<128x128xf32, #tpu.memory_space<hbm>>)
    return
  }
}

#map = affine_map<(d0, d1) -> (0, 0)>
#map1 = affine_map<(d0, d1) -> (0)>
module attributes {stable_mosaic.version = 14 : i64} {
  func.func @index_kernel(%arg0: i32, %arg1: i32, %arg2: memref<26x16384xi32, #tpu.memory_space<hbm>>, %arg3: memref<425984xi32, #tpu.memory_space<hbm>>, %arg4: memref<16384xi32, #tpu.memory_space<vmem>>) attributes {dimension_semantics = [#tpu.dimension_semantics<core_parallel>, #tpu.dimension_semantics<subcore_parallel>], iteration_bounds = array<i64: 2, 16>, scalar_prefetch = 0 : i64, scratch_operands = 1 : i64, tpu.core_type = #tpu.core_type<sc_vector_subcore>, window_params = [{transform_indices = #map}, {transform_indices = #map1}]} {
    %mul3A = arith.constant 2 : i32
    %mul3A_0 = arith.muli %arg1, %mul3A : i32
    %add3A = arith.addi %mul3A_0, %arg0 : i32
    %lt3A = arith.constant 26 : i32
    %lt3A_1 = arith.cmpi slt, %add3A, %lt3A : i32
    %convert_element_type3A = arith.extui %lt3A_1 : i1 to i32
    %cond3A = arith.constant 0 : i32
    %cond3A_2 = arith.cmpi ne, %convert_element_type3A, %cond3A : i32
    scf.if %cond3A_2 {
      "tpu.region"() ({
        %run_scoped3A = tpu.sem_alloc : memref<!tpu.dma_semaphore, #tpu.memory_space<semaphore_mem>>
        %dma_start3A = arith.constant 0 : i32
        %dma_start3A_5 = tpu.memref_slice %arg2[%add3A, %dma_start3A] : memref<26x16384xi32, #tpu.memory_space<hbm>> -> memref<1x16384xi32, #tpu.memory_space<hbm>>
        %dma_start3A_6 = tpu.memref_squeeze %dma_start3A_5 : memref<1x16384xi32, #tpu.memory_space<hbm>> -> memref<16384xi32, #tpu.memory_space<hbm>>
        %dma_start3A_7 = arith.constant 0 : i32
        %dma_start3A_8 = tpu.memref_slice %arg2[%add3A, %dma_start3A_7] : memref<26x16384xi32, #tpu.memory_space<hbm>> -> memref<1x16384xi32, #tpu.memory_space<hbm>>
        %dma_start3A_9 = tpu.memref_squeeze %dma_start3A_8 : memref<1x16384xi32, #tpu.memory_space<hbm>> -> memref<16384xi32, #tpu.memory_space<hbm>>
        tpu.enqueue_dma source(%dma_start3A_9 : memref<16384xi32, #tpu.memory_space<hbm>>) target(%arg4 : memref<16384xi32, #tpu.memory_space<vmem>>) target_semaphore(%run_scoped3A : memref<!tpu.dma_semaphore, #tpu.memory_space<semaphore_mem>>)
        %dma_wait3A = arith.constant 0 : i32
        %dma_wait3A_10 = tpu.memref_slice %arg2[%add3A, %dma_wait3A] : memref<26x16384xi32, #tpu.memory_space<hbm>> -> memref<1x16384xi32, #tpu.memory_space<hbm>>
        %dma_wait3A_11 = tpu.memref_squeeze %dma_wait3A_10 : memref<1x16384xi32, #tpu.memory_space<hbm>> -> memref<16384xi32, #tpu.memory_space<hbm>>
        %dma_wait3A_12 = arith.constant 0 : i32
        %dma_wait3A_13 = tpu.memref_slice %arg2[%add3A, %dma_wait3A_12] : memref<26x16384xi32, #tpu.memory_space<hbm>> -> memref<1x16384xi32, #tpu.memory_space<hbm>>
        %dma_wait3A_14 = tpu.memref_squeeze %dma_wait3A_13 : memref<1x16384xi32, #tpu.memory_space<hbm>> -> memref<16384xi32, #tpu.memory_space<hbm>>
        tpu.wait_dma2 semaphore(%run_scoped3A : memref<!tpu.dma_semaphore, #tpu.memory_space<semaphore_mem>>) src(%dma_wait3A_14 : memref<16384xi32, #tpu.memory_space<hbm>>) dst(%arg4 : memref<16384xi32, #tpu.memory_space<vmem>>)
        tpu.yield
      }) : () -> ()
      %mul3A_3 = arith.constant 16384 : i32
      %mul3A_4 = arith.muli %add3A, %mul3A_3 : i32
      "tpu.region"() ({
        %run_scoped3A = tpu.sem_alloc : memref<!tpu.dma_semaphore, #tpu.memory_space<semaphore_mem>>
        %dma_start3A = tpu.memref_slice %arg3[%mul3A_4] : memref<425984xi32, #tpu.memory_space<hbm>> -> memref<16384xi32, #tpu.memory_space<hbm>>
        %dma_start3A_5 = tpu.memref_slice %arg3[%mul3A_4] : memref<425984xi32, #tpu.memory_space<hbm>> -> memref<16384xi32, #tpu.memory_space<hbm>>
        tpu.enqueue_dma source(%arg4 : memref<16384xi32, #tpu.memory_space<vmem>>) target(%dma_start3A_5 : memref<16384xi32, #tpu.memory_space<hbm>>) target_semaphore(%run_scoped3A : memref<!tpu.dma_semaphore, #tpu.memory_space<semaphore_mem>>)
        %dma_wait3A = tpu.memref_slice %arg3[%mul3A_4] : memref<425984xi32, #tpu.memory_space<hbm>> -> memref<16384xi32, #tpu.memory_space<hbm>>
        %dma_wait3A_6 = tpu.memref_slice %arg3[%mul3A_4] : memref<425984xi32, #tpu.memory_space<hbm>> -> memref<16384xi32, #tpu.memory_space<hbm>>
        tpu.wait_dma2 semaphore(%run_scoped3A : memref<!tpu.dma_semaphore, #tpu.memory_space<semaphore_mem>>) src(%arg4 : memref<16384xi32, #tpu.memory_space<vmem>>) dst(%dma_wait3A_6 : memref<16384xi32, #tpu.memory_space<hbm>>)
        tpu.yield
      }) : () -> ()
    } else {
    }
    return
  }
}

module attributes {stable_mosaic.version = 14 : i64} {
  func.func @_head_body(%arg0: i32, %arg1: memref<416x16x128xf32, #tpu.memory_space<vmem>>, %arg2: memref<416x2xf32, #tpu.memory_space<vmem>>, %arg3: memref<416x1xf32, #tpu.memory_space<vmem>>, %arg4: memref<416x1xf32, #tpu.memory_space<vmem>>, %arg5: memref<128x416xf32, #tpu.memory_space<vmem>>, %arg6: memref<1x128xf32, #tpu.memory_space<vmem>>, %arg7: memref<2048x128xf32, #tpu.memory_space<vmem>>) attributes {dimension_semantics = [#tpu.dimension_semantics<arbitrary>], iteration_bounds = array<i64: 8>, scalar_prefetch = 0 : i64, scratch_operands = 0 : i64, tpu.core_type = #tpu.core_type<tc>, window_params = [{transform_indices = @transform_0, window_bounds = array<i64: 416, 16, 128>}, {pipeline_mode = #tpu.pipeline_mode<synchronous>, transform_indices = @transform_1, window_bounds = array<i64: 416, 2>}, {pipeline_mode = #tpu.pipeline_mode<synchronous>, transform_indices = @transform_2, window_bounds = array<i64: 416, 1>}, {pipeline_mode = #tpu.pipeline_mode<synchronous>, transform_indices = @transform_3, window_bounds = array<i64: 416, 1>}, {pipeline_mode = #tpu.pipeline_mode<synchronous>, transform_indices = @transform_4, window_bounds = array<i64: 128, 416>}, {pipeline_mode = #tpu.pipeline_mode<synchronous>, transform_indices = @transform_5, window_bounds = array<i64: 1, 128>}, {transform_indices = @transform_6, window_bounds = array<i64: 2048, 128>}]} {
    %get3A = arith.constant 0 : index
    %get3A_0 = arith.constant 0 : index
    %get3A_1 = vector.load %arg2[%get3A, %get3A_0] : memref<416x2xf32, #tpu.memory_space<vmem>>, vector<416x2xf32>
    %slice3A = vector.extract_strided_slice %get3A_1 {offsets = [0, 0], sizes = [416, 1], strides = [1, 1]} : vector<416x2xf32> to vector<416x1xf32>
    %mul3A = arith.constant 6.10351563E-5 : f32
    %mul3A_2 = vector.broadcast %mul3A : f32 to vector<416x1xf32>
    %mul3A_3 = arith.mulf %slice3A, %mul3A_2 : vector<416x1xf32>
    %slice3A_4 = vector.extract_strided_slice %get3A_1 {offsets = [0, 1], sizes = [416, 1], strides = [1, 1]} : vector<416x2xf32> to vector<416x1xf32>
    %mul3A_5 = arith.constant 6.10351563E-5 : f32
    %mul3A_6 = vector.broadcast %mul3A_5 : f32 to vector<416x1xf32>
    %mul3A_7 = arith.mulf %slice3A_4, %mul3A_6 : vector<416x1xf32>
    %mul3A_8 = arith.mulf %mul3A_3, %mul3A_3 : vector<416x1xf32>
    %sub3A = arith.subf %mul3A_7, %mul3A_8 : vector<416x1xf32>
    %get3A_9 = arith.constant 0 : index
    %get3A_10 = arith.constant 0 : index
    %get3A_11 = vector.load %arg3[%get3A_9, %get3A_10] : memref<416x1xf32, #tpu.memory_space<vmem>>, vector<416x1xf32>
    %add3A = arith.constant 9.99999974E-6 : f32
    %add3A_12 = vector.broadcast %add3A : f32 to vector<416x1xf32>
    %add3A_13 = arith.addf %sub3A, %add3A_12 : vector<416x1xf32>
    %rsqrt3A = math.rsqrt %add3A_13 : vector<416x1xf32>
    %mul3A_14 = arith.mulf %get3A_11, %rsqrt3A : vector<416x1xf32>
    %get3A_15 = arith.constant 0 : index
    %get3A_16 = arith.constant 0 : index
    %get3A_17 = vector.load %arg4[%get3A_15, %get3A_16] : memref<416x1xf32, #tpu.memory_space<vmem>>, vector<416x1xf32>
    %mul3A_18 = arith.mulf %mul3A_3, %mul3A_14 : vector<416x1xf32>
    %sub3A_19 = arith.subf %get3A_17, %mul3A_18 : vector<416x1xf32>
    %get3A_20 = arith.constant 0 : index
    %get3A_21 = arith.constant 0 : index
    %get3A_22 = arith.constant 0 : index
    %get3A_23 = vector.load %arg1[%get3A_20, %get3A_21, %get3A_22] : memref<416x16x128xf32, #tpu.memory_space<vmem>>, vector<416x16x128xf32>
    %reshape3A = vector.shape_cast %get3A_23 : vector<416x16x128xf32> to vector<416x2048xf32>
    %mul3A_24 = vector.broadcast %mul3A_14 : vector<416x1xf32> to vector<416x2048xf32>
    %mul3A_25 = arith.mulf %reshape3A, %mul3A_24 : vector<416x2048xf32>
    %add3A_26 = vector.broadcast %sub3A_19 : vector<416x1xf32> to vector<416x2048xf32>
    %add3A_27 = arith.addf %mul3A_25, %add3A_26 : vector<416x2048xf32>
    %get3A_28 = arith.constant 0 : index
    %get3A_29 = arith.constant 0 : index
    %get3A_30 = vector.load %arg5[%get3A_28, %get3A_29] : memref<128x416xf32, #tpu.memory_space<vmem>>, vector<128x416xf32>
    %dot_general3A = arith.constant dense<0.000000e+00> : vector<128x2048xf32>
    %dot_general3A_31 = tpu.matmul %get3A_30, %add3A_27, %dot_general3A {dimension_numbers = #tpu.dot_dimension_numbers<[1], [0], [0], [1], [0, 0, 1, 1], [], []>, transpose_lhs_hint = false} : vector<128x416xf32>, vector<416x2048xf32>, vector<128x2048xf32> -> vector<128x2048xf32>
    %transpose3A = tpu.transpose %dot_general3A_31, [1, 0] : vector<128x2048xf32> -> vector<2048x128xf32>
    %get3A_32 = arith.constant 0 : index
    %get3A_33 = arith.constant 0 : index
    %get3A_34 = vector.load %arg6[%get3A_32, %get3A_33] : memref<1x128xf32, #tpu.memory_space<vmem>>, vector<1x128xf32>
    %add3A_35 = vector.broadcast %get3A_34 : vector<1x128xf32> to vector<2048x128xf32>
    %add3A_36 = arith.addf %transpose3A, %add3A_35 : vector<2048x128xf32>
    %max3A = arith.constant 0.000000e+00 : f32
    %max3A_37 = vector.broadcast %max3A : f32 to vector<2048x128xf32>
    %max3A_38 = arith.maximumf %add3A_36, %max3A_37 : vector<2048x128xf32>
    %swap3A = arith.constant 0 : index
    %swap3A_39 = arith.constant 0 : index
    %swap3A_40 = vector.load %arg7[%swap3A, %swap3A_39] : memref<2048x128xf32, #tpu.memory_space<vmem>>, vector<2048x128xf32>
    tpu.vector_store %arg7[%swap3A, %swap3A_39], %max3A_38 {strides = array<i32>} : memref<2048x128xf32, #tpu.memory_space<vmem>>, vector<2048x128xf32>,
    return
  }
  func.func @transform_0(%arg0: i32) -> (i32, i32, i32) {
    %c0_i32 = arith.constant 0 : i32
    %c0_i32_0 = arith.constant 0 : i32
    %c0_i32_1 = arith.constant 0 : i32
    return %c0_i32, %arg0, %c0_i32_0 : i32, i32, i32
  }
  func.func @transform_1(%arg0: i32) -> (i32, i32) {
    %c0_i32 = arith.constant 0 : i32
    %c0_i32_0 = arith.constant 0 : i32
    %c0_i32_1 = arith.constant 0 : i32
    return %c0_i32, %c0_i32_0 : i32, i32
  }
  func.func @transform_2(%arg0: i32) -> (i32, i32) {
    %c0_i32 = arith.constant 0 : i32
    %c0_i32_0 = arith.constant 0 : i32
    %c0_i32_1 = arith.constant 0 : i32
    return %c0_i32, %c0_i32_0 : i32, i32
  }
  func.func @transform_3(%arg0: i32) -> (i32, i32) {
    %c0_i32 = arith.constant 0 : i32
    %c0_i32_0 = arith.constant 0 : i32
    %c0_i32_1 = arith.constant 0 : i32
    return %c0_i32, %c0_i32_0 : i32, i32
  }
  func.func @transform_4(%arg0: i32) -> (i32, i32) {
    %c0_i32 = arith.constant 0 : i32
    %c0_i32_0 = arith.constant 0 : i32
    %c0_i32_1 = arith.constant 0 : i32
    return %c0_i32, %c0_i32_0 : i32, i32
  }
  func.func @transform_5(%arg0: i32) -> (i32, i32) {
    %c0_i32 = arith.constant 0 : i32
    %c0_i32_0 = arith.constant 0 : i32
    %c0_i32_1 = arith.constant 0 : i32
    return %c0_i32, %c0_i32_0 : i32, i32
  }
  func.func @transform_6(%arg0: i32) -> (i32, i32) {
    %c0_i32 = arith.constant 0 : i32
    %c0_i32_0 = arith.constant 0 : i32
    return %arg0, %c0_i32 : i32, i32
  }
}

module attributes {stable_mosaic.version = 14 : i64} {
  func.func @_stats_body(%arg0: i32, %arg1: memref<416x16x128xf32, #tpu.memory_space<vmem>>, %arg2: memref<416x2xf32, #tpu.memory_space<vmem>>) attributes {dimension_semantics = [#tpu.dimension_semantics<arbitrary>], iteration_bounds = array<i64: 8>, scalar_prefetch = 0 : i64, scratch_operands = 0 : i64, tpu.core_type = #tpu.core_type<tc>, window_params = [{transform_indices = @transform_0, window_bounds = array<i64: 416, 16, 128>}, {pipeline_mode = #tpu.pipeline_mode<synchronous>, transform_indices = @transform_1, window_bounds = array<i64: 416, 2>}]} {
    %eq3A = arith.constant 0 : i32
    %eq3A_0 = arith.cmpi eq, %arg0, %eq3A : i32
    %convert_element_type3A = arith.extui %eq3A_0 : i1 to i32
    %cond3A = arith.constant 0 : i32
    %cond3A_1 = arith.cmpi ne, %convert_element_type3A, %cond3A : i32
    scf.if %cond3A_1 {
      %broadcast_in_dim3A_25 = arith.constant 0.000000e+00 : f32
      %broadcast_in_dim3A_26 = vector.broadcast %broadcast_in_dim3A_25 : f32 to vector<416x2xf32>
      %swap3A_27 = arith.constant 0 : index
      %swap3A_28 = arith.constant 0 : index
      %swap3A_29 = vector.load %arg2[%swap3A_27, %swap3A_28] : memref<416x2xf32, #tpu.memory_space<vmem>>, vector<416x2xf32>
      tpu.vector_store %arg2[%swap3A_27, %swap3A_28], %broadcast_in_dim3A_26 {strides = array<i32>} : memref<416x2xf32, #tpu.memory_space<vmem>>, vector<416x2xf32>,
    } else {
    }
    %get3A = arith.constant 0 : index
    %get3A_2 = arith.constant 0 : index
    %get3A_3 = arith.constant 0 : index
    %get3A_4 = vector.load %arg1[%get3A, %get3A_2, %get3A_3] : memref<416x16x128xf32, #tpu.memory_space<vmem>>, vector<416x16x128xf32>
    %reduce_sum3A = arith.constant dense<0.000000e+00> : vector<416x128xf32>
    %reduce_sum3A_5 = vector.multi_reduction <add>, %get3A_4, %reduce_sum3A [1] : vector<416x16x128xf32> to vector<416x128xf32>
    %reduce_sum3A_6 = arith.constant dense<0.000000e+00> : vector<416xf32>
    %reduce_sum3A_7 = vector.multi_reduction <add>, %reduce_sum3A_5, %reduce_sum3A_6 [1] : vector<416x128xf32> to vector<416xf32>
    %broadcast_in_dim3A = vector.shape_cast %reduce_sum3A_7 : vector<416xf32> to vector<416x1xf32>
    %mul3A = arith.mulf %get3A_4, %get3A_4 : vector<416x16x128xf32>
    %reduce_sum3A_8 = arith.constant dense<0.000000e+00> : vector<416x128xf32>
    %reduce_sum3A_9 = vector.multi_reduction <add>, %mul3A, %reduce_sum3A_8 [1] : vector<416x16x128xf32> to vector<416x128xf32>
    %reduce_sum3A_10 = arith.constant dense<0.000000e+00> : vector<416xf32>
    %reduce_sum3A_11 = vector.multi_reduction <add>, %reduce_sum3A_9, %reduce_sum3A_10 [1] : vector<416x128xf32> to vector<416xf32>
    %broadcast_in_dim3A_12 = vector.shape_cast %reduce_sum3A_11 : vector<416xf32> to vector<416x1xf32>
    %get3A_13 = arith.constant 0 : index
    %get3A_14 = arith.constant 0 : index
    %get3A_15 = vector.load %arg2[%get3A_13, %get3A_14] : memref<416x2xf32, #tpu.memory_space<vmem>>, vector<416x1xf32>
    %add3A = arith.addf %get3A_15, %broadcast_in_dim3A : vector<416x1xf32>
    %swap3A = arith.constant 0 : index
    %swap3A_16 = arith.constant 0 : index
    %swap3A_17 = vector.load %arg2[%swap3A, %swap3A_16] : memref<416x2xf32, #tpu.memory_space<vmem>>, vector<416x1xf32>
    tpu.vector_store %arg2[%swap3A, %swap3A_16], %add3A {strides = array<i32>} : memref<416x2xf32, #tpu.memory_space<vmem>>, vector<416x1xf32>,
    %get3A_18 = arith.constant 0 : index
    %get3A_19 = arith.constant 1 : index
    %get3A_20 = vector.load %arg2[%get3A_18, %get3A_19] : memref<416x2xf32, #tpu.memory_space<vmem>>, vector<416x1xf32>
    %add3A_21 = arith.addf %get3A_20, %broadcast_in_dim3A_12 : vector<416x1xf32>
    %swap3A_22 = arith.constant 0 : index
    %swap3A_23 = arith.constant 1 : index
    %swap3A_24 = vector.load %arg2[%swap3A_22, %swap3A_23] : memref<416x2xf32, #tpu.memory_space<vmem>>, vector<416x1xf32>
    tpu.vector_store %arg2[%swap3A_22, %swap3A_23], %add3A_21 {strides = array<i32>} : memref<416x2xf32, #tpu.memory_space<vmem>>, vector<416x1xf32>,
    return
  }
  func.func @transform_0(%arg0: i32) -> (i32, i32, i32) {
    %c0_i32 = arith.constant 0 : i32
    %c0_i32_0 = arith.constant 0 : i32
    %c0_i32_1 = arith.constant 0 : i32
    return %c0_i32, %arg0, %c0_i32_0 : i32, i32, i32
  }
  func.func @transform_1(%arg0: i32) -> (i32, i32) {
    %c0_i32 = arith.constant 0 : i32
    %c0_i32_0 = arith.constant 0 : i32
    %c0_i32_1 = arith.constant 0 : i32
    return %c0_i32, %c0_i32_0 : i32, i32
  }
}

</mosaic_0001>

<sc_bundles>
// kernel: kernel.6.cloned.1.call-start
scs
__scs_entry_jumppad:
0x0: {  	(pc) =	sbr.rel $0x88, $3  }
0x1: {  	(tag) =	ssettag $0x0;
	lr =	simm.s32 $0x1  }
0x2: {  	[smem:$0x3F9B] =	sst lr;
	_ =	strace $0xD0000000  }
0x3: {  	_ = 	snop  }
0x4: {  	_ = 	snop  }
0x5: {  	_ = 	snop  }
0x6: {  	_ = 	snop  }
0x7: {  	_ = 	snop  }
__scs_overlays_trampoline_lowered:
0x8: {  	[smem:$0x3FAA] =	sst s0  }
0x9: {  	[smem:$0x3FAB] =	sst s1  }
0xa: {  	[smem:$0x3FAC] =	sst s2  }
0xb: {  	[smem:$0x3FAD] =	sst s3  }
0xc: {  	[smem:$0x3FAE] =	sst s4  }
0xd: {  	[smem:$0x3FAF] =	sst s5  }
0xe: {  	[smem:$0x3FB0] =	sst s6  }
0xf: {  	[smem:$0x3FB1] =	sst s7  }
0x10: {  	[smem:$0x3FB2] =	sst s8  }
0x11: {  	[smem:$0x3FB3] =	sst s9;
	s0 =	simm.s32 @!p0 $0x0  }
0x12: {  	s1 =	sld [smem:$0x3F99];
	s0 =	simm.s32 @p0 $0x1  }
0x13: {  	[smem:$0x3FB4] =	sst s0;
	s0 =	simm.s32 @!p1 $0x0  }
0x14: {  	s2 =	sld [smem:$0x3F98];
	s0 =	simm.s32 @p1 $0x1  }
0x15: {  	[smem:$0x3FB5] =	sst s0;
	s0 =	simm.s32 @!p2 $0x0  }
0x16: {  	s3 =	sld [smem:$0x3FDB];
	s0 =	simm.s32 @p2 $0x1  }
0x17: {  	s4 =	simm.s32 $0x1BF5;
	[smem:$0x3FB7] =	sst s0  }
0x18: {  	s0 =	sld [smem:$0x3F9A];
	_ =	swait.ge [sflag:s4], $0x0  }
0x19: {  	s7 =	sld [smem:$0x3F9B]  }
0x1a: {  	s8 =	sadd.s32 $0xFFFFE003, lr  }
0x1b: {  	s9 =	sadd.s32 $0xFFFFFEF7, lr;
	s5 =	simm.s32 $0xFFFFFFFF;
	p2 =	slt.u32 s8, $0xFFFFF086  }
0x1c: {  	p1 =	slt.u32 s9, $0xF7A;
	s5 =	simm.s32 @!p2 $0x0  }
0x1d: {  	s5 =	simm.s32 @p1 $0x1;
	p0 =	seq.s32 s7, s2  }
0x1e: {  	s7 =	smul.u32 @!p0 $0xF7A, s2;
	p2 =	seq.s32 @!p0 s5, $0x0  }
0x1f: {  	s9 =	smul.u32 $0xF7A, s1;
	s8 =	simm.s32 @!p0 $0x1BF5;
	p2 =	por !p2, p0  }
0x20: {  	[sflag:s8] =	ssyncset.s32 @!p0 $0xFFFFF086;
	s6 =	sadd.s32 @!p0 s3, s7;
	s7 =	simm.s32 @!p0 $0x108  }
0x21: {  	s3 =	sadd.s32 s3, s9;
	s6 =	sadd.s32 @!p0 $0x88, s6;
	s7 =	simm.s32 @p2 $0x1082  }
0x22: {  	[simem:s7], [sflag:s8] =	dma.local @!p0 [hbm:s6], $0xF7A  }
0x23: {  	s9 =	sor.u32 $0xD0000000, s2;
	s6 =	simm.s32 $0x108;
	_ =	swait.ge @!p0 [sflag:s8], $0x0  }
0x24: {  	s3 =	sadd.s32 $0x88, s3;
	s6 =	simm.s32 @!p1 $0x1082;
	[sflag:s4] =	ssyncset.s32 $0xFFFFF086  }
0x25: {  	[simem:s6], [sflag:s4] =	dma.local [hbm:s3], $0xF7A  }
0x26: {  	[smem:$0x3F9B] =	sst s1;
	(tag) =	ssettag s2;
	_ =	strace s9  }
0x27: {  	s1 =	sld [smem:$0x3FAB]  }
0x28: {  	s2 =	sld [smem:$0x3FAC]  }
0x29: {  	s4 =	sld [smem:$0x3FAE]  }
0x2a: {  	p0 =	seq.s32 s5, $0x0;
	s5 =	sld [smem:$0x3FAF]  }
0x2b: {  	s6 =	sld [smem:$0x3FB0]  }
0x2c: {  	s7 =	sld [smem:$0x3FB1]  }
0x2d: {  	s3 =	simm.s32 $0x108;
	s8 =	sld [smem:$0x3FB2]  }
0x2e: {  	s3 =	simm.s32 @!p0 $0x1082;
	s9 =	sld [smem:$0x3FB3]  }
0x2f: {  	lr =	sadd.s32 s0, s3;
	s0 =	sld [smem:$0x3FAA]  }
0x30: {  	s3 =	sld [smem:$0x3FAD]  }
0x31: {  	[smem:$0x3FB6] =	sst s10  }
0x32: {  	s10 =	sld [smem:$0x3FB4];
	_ =	sdelay $0x3  }
0x33: {  	p0 =	seq.s32 s10, $0x1;
	s10 =	sld [smem:$0x3FB6];
	_ =	sdelay $0x3  }
0x34: {  	[smem:$0x3FB6] =	sst s10  }
0x35: {  	s10 =	sld [smem:$0x3FB5];
	_ =	sdelay $0x3  }
0x36: {  	p1 =	seq.s32 s10, $0x1;
	s10 =	sld [smem:$0x3FB6];
	_ =	sdelay $0x3  }
0x37: {  	[smem:$0x3FB6] =	sst s10  }
0x38: {  	s10 =	sld [smem:$0x3FB7]  }
0x39: {  	_ = 	snop;
	(pc) =	sbr.ind lr, $3  }
0x3a: {  	_ = 	snop  }
0x3b: {  	_ = 	snop  }
0x3c: {  	p2 =	seq.s32 s10, $0x1;
	s10 =	sld [smem:$0x3FB6]  }
0x3d: {  	_ =	shalt  }
0x3e: {  	_ =	shalt  }
0x3f: {  	_ =	shalt  }
0x40: {  	_ =	shalt  }
0x41: {  	_ =	shalt  }
0x42: {  	_ =	shalt  }
0x43: {  	_ =	shalt  }
0x44: {  	_ =	shalt  }
0x45: {  	_ =	shalt  }
0x46: {  	_ =	shalt  }
0x47: {  	_ =	shalt  }
0x48: {  	_ =	shalt  }
0x49: {  	_ =	shalt  }
0x4a: {  	_ =	shalt  }
0x4b: {  	_ =	shalt  }
0x4c: {  	_ =	shalt  }
0x4d: {  	_ =	shalt  }
0x4e: {  	_ =	shalt  }
0x4f: {  	_ =	shalt  }
0x50: {  	_ =	shalt  }
0x51: {  	_ =	shalt  }
0x52: {  	_ =	shalt  }
0x53: {  	_ =	shalt  }
0x54: {  	_ =	shalt  }
0x55: {  	_ =	shalt  }
0x56: {  	_ =	shalt  }
0x57: {  	_ =	shalt  }
0x58: {  	_ =	shalt  }
0x59: {  	_ =	shalt  }
0x5a: {  	_ =	shalt  }
0x5b: {  	_ =	shalt  }
0x5c: {  	_ =	shalt  }
0x5d: {  	_ =	shalt  }
0x5e: {  	_ =	shalt  }
0x5f: {  	_ =	shalt  }
0x60: {  	_ =	shalt  }
0x61: {  	_ =	shalt  }
0x62: {  	_ =	shalt  }
0x63: {  	_ =	shalt  }
0x64: {  	_ =	shalt  }
0x65: {  	_ =	shalt  }
0x66: {  	_ =	shalt  }
0x67: {  	_ =	shalt  }
0x68: {  	_ =	shalt  }
0x69: {  	_ =	shalt  }
0x6a: {  	_ =	shalt  }
0x6b: {  	_ =	shalt  }
0x6c: {  	_ =	shalt  }
0x6d: {  	_ =	shalt  }
0x6e: {  	_ =	shalt  }
0x6f: {  	_ =	shalt  }
0x70: {  	_ =	shalt  }
0x71: {  	_ =	shalt  }
0x72: {  	_ =	shalt  }
0x73: {  	_ =	shalt  }
0x74: {  	_ =	shalt  }
0x75: {  	_ =	shalt  }
0x76: {  	_ =	shalt  }
0x77: {  	_ =	shalt  }
0x78: {  	_ =	shalt  }
0x79: {  	_ =	shalt  }
0x7a: {  	_ =	shalt  }
0x7b: {  	_ =	shalt  }
0x7c: {  	_ =	shalt  }
0x7d: {  	_ =	shalt  }
0x7e: {  	_ =	shalt  }
0x7f: {  	_ =	shalt  }
0x80: {  	_ =	shalt  }
0x81: {  	_ =	shalt  }
0x82: {  	_ =	shalt  }
0x83: {  	_ =	shalt  }
0x84: {  	_ =	shalt  }
0x85: {  	_ =	shalt  }
0x86: {  	_ =	shalt  }
0x87: {  	_ =	shalt  }
.Lfunc_end0:
.L_simem_size_0:
called_computation_lowered:
.L_overlay_start_0:
0x88: {  	s2 =	sld [smem:$0x3FD9]  }
0x89: {  	s3 =	sld [smem:$0x3FFE];
	_ =	sdelay $0x1  }
0x8a: {  	s1 =	srdreg.scid  }
0x8b: {  	s0 =	sand.u32 $0x1, s1  }
0x8c: {  	s18 =	sshll.u32 s0, $0xA;
	s2 =	sadd.s32 s3, s2  }
0x8d: {  	s2 =	sadd.s32 s2, s18  }
0x8e: {  	[smem:$0x3FC2] =	sst s2  }
0x8f: {  	_ = 	snop  }
0x90: {  	s2 =	sld [smem:$0x3FC9]  }
0x91: {  	s19 =	sld [smem:$0x3FD0];
	(tm) =	ssettm $0x1  }
0x92: {  	s4 =	sld [smem:$0x3FFB];
	_ =	sdelay $0x3  }
0x93: {  	_ =	strace s4  }
0x94: {  	s4 =	sld [smem:$0x3FFC];
	_ =	sdelay $0x3  }
0x95: {  	_ =	strace s4  }
0x96: {  	s4 =	sld [smem:$0x3FFD];
	_ =	sdelay $0x3  }
0x97: {  	_ =	strace s4  }
0x98: {  	_ =	strace $0x8FFFFFFF  }
0x99: {  	s20 =	sld [smem:$0x3FDB];
	_ =	sdelay $0x1  }
0x9a: {  	s5 =	simm.s32 $_scs_section_size  }
0x9b: {  	s6 =	simm.s32 $_size__tile_overlayer_lowered;
	s7 =	simm.s32 $_tile_overlayer_lowered  }
0x9c: {  	s23 =	simm.s32 $0x1BFF;
	s22 =	sshll.u32 s7, $0x1;
	s4 =	sadd.s32 s5, s20  }
0x9d: {  	s8 =	simm.s32 $0x0;
	s21 =	sshll.u32 s6, $0x1;
	s6 =	sadd.s32 s22, s4  }
0x9e: {  	[timem:s8], [sflag:s23] =	dma.local [hbm:s6], s21  }
0x9f: {  	_ =	swait.ge [sflag:s23], s21  }
0xa0: {  	s5 =	ssub.s32 $0x0, s21;
	[sflag:s23] =	ssyncset.done $0x0  }
0xa1: {  	[sflag:s23] =	ssyncadd.s32 s5;
	_ =	sdelay $0x1  }
0xa2: {  	s24 =	simm.s32 $0x1B8B  }
0xa3: {  	_ =	swait.ge [sflag:s24], $0x1  }
0xa4: {  	[sflag:s24] =	ssyncset.done $0x0  }
0xa5: {  	s25 =	simm.s32 $0x1B8E;
	[sflag:s24] =	ssyncadd.s32 $0xFFFFFFFF  }
0xa6: {  	s26 =	simm.s32 $execute0_lowered;
	[smem:$0x3FD2] =	sst s25  }
0xa7: {  	s5 =	sshll.u32 s26, $0x1;
	_ =	strace $0x80000046;
	[dreg:$0x1] =	wrdreg $0xFFFFFFFF  }
0xa8: {  	s28 =	simm.s32 $_size_execute0_lowered;
	s4 =	sadd.s32 s4, s5;
	[dreg:$0x0] =	wrdreg $0x0  }
0xa9: {  	s5 =	sshll.u32 s28, $0x1;
	[dreg:$0x2] =	wrdreg s4  }
0xaa: {  	[dreg:$0x3] =	wrdreg s5  }
0xab: {  	[dreg:$0x4] =	wrdreg $0xC0  }
0xac: {  	_ =	task [dreg:s8], $0x5FFFF  }
0xad: {  	[dreg:$0x1] =	wrdreg $0xFFFFFFFF  }
0xae: {  	[dreg:$0x0] =	wrdreg $0x60  }
0xaf: {  	[dreg:$0x2] =	wrdreg s2  }
0xb0: {  	[dreg:$0x3] =	wrdreg s19  }
0xb1: {  	[dreg:$0x4] =	wrdreg $0x9  }
0xb2: {  	_ =	task.clear_ibuf [dreg:s8], $0x5FFFF;
	_ =	strace $0x90000046  }
0xb3: {  	s29 =	simm.s32 $0x9;
	_ =	strace $0x80000048  }
0xb4: {  	_ =	swait.ge [sflag:s29], $0x1  }
0xb5: {  	[sflag:s29] =	ssyncadd.s32 $0xFFFFFFFF  }
0xb6: {  	_ =	strace $0x90000048  }
0xb7: {  	_ =	sfence  }
0xb8: {  	s30 =	sld [smem:$0x0];
	_ =	sdelay $0x2  }
0xb9: {  	s31 =	sshll.u32 s1, $0xD;
	s1 =	sshrl.u32 s1, $0x2  }
0xba: {  	s3 =	sand.u32 $0x4000, s31;
	s1 =	sadd.s32 s1, s30  }
0xbb: {  	s0 =	sor.u32 s3, s0;
	s1 =	sshll.u32 s1, $0x11  }
0xbc: {  	s0 =	sor.u32 s1, s0  }
0xbd: {  	s0 =	sadd.s32 $0x8F2B, s0  }
0xbe: {  	[sflag:s0] =	ssyncadd.remote.s32 $0x1  }
0xbf: {  	_ =	sfence.sel $0xFFFF  }
0xc0: {  	[dreg:$0x0] =	wrdreg $0xFFFFFFFF;
	(pc) =	sbr.abs _section_cstart, $3  }
0xc1: {  	[dreg:$0x1] =	wrdreg $0xFFFFFFFF  }
0xc2: {  	_ =	task.clear_ibuf [dreg:s8], $0x2FFFF;
	_ =	strace $0x9FFFFFFF  }
0xc3: {  	(tm) =	ssettm $0x7FFFFFFF  }
tec
execute0_lowered:
.L_overlay_start_1:
0x0: {  	(tag) =	ssettag $0x1  }
0x1: {  	s1 =	stileid.u32  }
0x2: {  	p0 =	sgt.u32 s1, $0xC  }
.Ltmp0:
0x3: {  	_ = 	snop;
	(pc) =	sbr.rel @p0 .LBB2_4-.Ltmp0, $4  }
0x4: {  	s3 =	rddreg [dreg:$0x0]  }
0x5: {  	s7 =	rddreg [dreg:$0x1];
	s2 =	simm.s32 $0x0  }
0x6: {  	[smem:$0x7FF] =	sst s2  }
0x7: {  	s0 =	rddreg [dreg:$0x2];
	_ =	strace $0x80000047  }
0x8: {  	s4 =	srdreg.scid  }
0x9: {  	s5 =	sshll.u32 s1, $0x1;
	s4 =	sand.u32 $0x1, s4  }
0xa: {  	s29 =	sshll.u32 s1, $0xC;
	s8 =	sor.u32 s4, s5  }
0xb: {  	s5 =	sand.u32 $0xC000, s29;
	s9 =	ssub.s32 $0x2, s4;
	s4 =	simm.s32 $0x80  }
0xc: {  	s6 =	sshll.u32 s8, $0x4;
	s3 =	sadd.s32 s3, s5;
	s10 =	sshrl.u32 s9, $0x1  }
0xd: {  	s5 =	simm.s32 $0x1;
	s30 =	sand.u32 $0x70, s6;
	s9 =	ssub.s32 s9, s10  }
0xe: {  	s6 =	simm.s32 $0x400;
	s3 =	sadd.s32 s30, s3;
	s31 =	smax.u32 s9, $0x1  }
0xf: {  	[tilespmem:s2], [sflag:$0x1] =	stream.strided.gather [hbm4b:s3+s4], $0x4000, s6, s4, $0x38;
	[tilespmem:$0x4000] =	vst v63  }
0x10: {  	p0 =	sne.s32 s31, $0x1;
	_ =	swait.ge [sflag:s5], $0x4000  }
.Ltmp1:
0x11: {  	s8 =	sshll.u32 s8, $0xB;
	[sflag:s5] =	ssyncset.done $0x0;
	(pc) =	sbr.rel @!p0 .LBB2_3-.Ltmp1, $4  }
0x12: {  	s7 =	sadd.s32 s7, s8;
	[sflag:s5] =	ssyncadd.s32 $0xFFFFC000  }
0x13: {  	[hbm4b:s7+s2] =	stream.linear.scatter [tilespmem:s2], [sflag:$0x1], $0x4000, $0x38;
	[tilespmem:$0x4000] =	vst v63  }
0x14: {  	_ =	swait.ge [sflag:s5], $0x4000  }
0x15: {  	s8 =	sadd.s32 $0xFFFFFFFF, s31;
	[sflag:s5] =	ssyncset.done $0x0  }
.LBB2_2:
0x16: {  	p0 =	sne.s32 s8, $0x1;
	s8 =	sadd.s32 $0xFFFFFFFF, s8;
	[sflag:s5] =	ssyncadd.s32 $0xFFFFC000  }
0x17: {  	[tilespmem:s2], [sflag:$0x1] =	stream.strided.gather [hbm4b:s3+s4], $0x4000, s6, s4, $0x38;
	[tilespmem:$0x4000] =	vst v63  }
0x18: {  	_ =	swait.ge [sflag:s5], $0x4000  }
.Ltmp2:
0x19: {  	[sflag:s5] =	ssyncset.done $0x0;
	(pc) =	sbr.rel @p0 .LBB2_2-.Ltmp2, $4  }
0x1a: {  	[sflag:s5] =	ssyncadd.s32 $0xFFFFC000  }
0x1b: {  	[hbm4b:s7+s2] =	stream.linear.scatter [tilespmem:s2], [sflag:$0x1], $0x4000, $0x38;
	[tilespmem:$0x4000] =	vst v63  }
0x1c: {  	_ =	swait.ge [sflag:s5], $0x4000  }
0x1d: {  	[sflag:s5] =	ssyncset.done $0x0  }
.LBB2_3:
0x1e: {  	[sflag:s5] =	ssyncadd.s32 $0xFFFFC000  }
.LBB2_4:
0x1f: {  	_ =	sfence.sel $0x180000  }
0x20: {  	[bflag:$0x0] =	sbarrier.arrive $0xFFFF  }
0x21: {  	p0 =	sne.s32 s1, $0x0;
	_ =	strace $0x90000047  }
0x22: {  	s0 =	sadd.s32 @!p0 $0x100000, s0;
	[bflag:$0x2] =	sbarrier.arrive $0xFFFF  }
0x23: {  	[sflag:s0] =	ssyncadd.tile.s32 @!p0 $0x1;
	_ =	shalt  }
.Lfunc_end2:
_tile_overlayer_lowered:
.L_overlay_start_2:
0x24: {  	(tag) =	ssettag $0x2  }
0x25: {  	s0 =	rddreg [dreg:$0x0];
	s2 =	stileid.u32  }
0x26: {  	s1 =	rddreg [dreg:$0x1];
	p0 =	sne.s32 s2, $0x0  }
0x27: {  	s3 =	rddreg [dreg:$0x2];
	[bflag:$0x3] =	sbarrier.arrive $0xFFFF;
	s2 =	simm.s32 @!p0 $0x1C01  }
0x28: {  	[timem:s3], [sflag:s2] =	dma.local @!p0 [hbm:s0], s1  }
0x29: {  	s0 =	simm.s32 @!p0 $0x1  }
0x2a: {  	_ =	swait.ge @!p0 [sflag:s0], s1  }
0x2b: {  	s1 =	ssub.s32 @!p0 $0x0, s1;
	[sflag:s0] =	ssyncset.done @!p0 $0x0  }
0x2c: {  	[sflag:s0] =	ssyncadd.s32 @!p0 s1  }
0x2d: {  	[bflag:$0x3] =	sbarrier.arrive $0xFFFF  }
0x2e: {  	_ =	shalt  }

// kernel: kernel.9.cloned.1.call-start
scs
__scs_entry_jumppad:
0x0: {  	(pc) =	sbr.rel $0x88, $3  }
0x1: {  	(tag) =	ssettag $0x0;
	lr =	simm.s32 $0x1  }
0x2: {  	[smem:$0x3F9B] =	sst lr;
	_ =	strace $0xD0000000  }
0x3: {  	_ = 	snop  }
0x4: {  	_ = 	snop  }
0x5: {  	_ = 	snop  }
0x6: {  	_ = 	snop  }
0x7: {  	_ = 	snop  }
__scs_overlays_trampoline_lowered:
0x8: {  	[smem:$0x3FAA] =	sst s0  }
0x9: {  	[smem:$0x3FAB] =	sst s1  }
0xa: {  	[smem:$0x3FAC] =	sst s2  }
0xb: {  	[smem:$0x3FAD] =	sst s3  }
0xc: {  	[smem:$0x3FAE] =	sst s4  }
0xd: {  	[smem:$0x3FAF] =	sst s5  }
0xe: {  	[smem:$0x3FB0] =	sst s6  }
0xf: {  	[smem:$0x3FB1] =	sst s7  }
0x10: {  	[smem:$0x3FB2] =	sst s8  }
0x11: {  	[smem:$0x3FB3] =	sst s9;
	s0 =	simm.s32 @!p0 $0x0  }
0x12: {  	s1 =	sld [smem:$0x3F99];
	s0 =	simm.s32 @p0 $0x1  }
0x13: {  	[smem:$0x3FB4] =	sst s0;
	s0 =	simm.s32 @!p1 $0x0  }
0x14: {  	s2 =	sld [smem:$0x3F98];
	s0 =	simm.s32 @p1 $0x1  }
0x15: {  	[smem:$0x3FB5] =	sst s0;
	s0 =	simm.s32 @!p2 $0x0  }
0x16: {  	s3 =	sld [smem:$0x3FDB];
	s0 =	simm.s32 @p2 $0x1  }
0x17: {  	s4 =	simm.s32 $0x1BF5;
	[smem:$0x3FB7] =	sst s0  }
0x18: {  	s0 =	sld [smem:$0x3F9A];
	_ =	swait.ge [sflag:s4], $0x0  }
0x19: {  	s7 =	sld [smem:$0x3F9B]  }
0x1a: {  	s8 =	sadd.s32 $0xFFFFE003, lr  }
0x1b: {  	s9 =	sadd.s32 $0xFFFFFEF7, lr;
	s5 =	simm.s32 $0xFFFFFFFF;
	p2 =	slt.u32 s8, $0xFFFFF086  }
0x1c: {  	p1 =	slt.u32 s9, $0xF7A;
	s5 =	simm.s32 @!p2 $0x0  }
0x1d: {  	s5 =	simm.s32 @p1 $0x1;
	p0 =	seq.s32 s7, s2  }
0x1e: {  	s7 =	smul.u32 @!p0 $0xF7A, s2;
	p2 =	seq.s32 @!p0 s5, $0x0  }
0x1f: {  	s9 =	smul.u32 $0xF7A, s1;
	s8 =	simm.s32 @!p0 $0x1BF5;
	p2 =	por !p2, p0  }
0x20: {  	[sflag:s8] =	ssyncset.s32 @!p0 $0xFFFFF086;
	s6 =	sadd.s32 @!p0 s3, s7;
	s7 =	simm.s32 @!p0 $0x108  }
0x21: {  	s3 =	sadd.s32 s3, s9;
	s6 =	sadd.s32 @!p0 $0x88, s6;
	s7 =	simm.s32 @p2 $0x1082  }
0x22: {  	[simem:s7], [sflag:s8] =	dma.local @!p0 [hbm:s6], $0xF7A  }
0x23: {  	s9 =	sor.u32 $0xD0000000, s2;
	s6 =	simm.s32 $0x108;
	_ =	swait.ge @!p0 [sflag:s8], $0x0  }
0x24: {  	s3 =	sadd.s32 $0x88, s3;
	s6 =	simm.s32 @!p1 $0x1082;
	[sflag:s4] =	ssyncset.s32 $0xFFFFF086  }
0x25: {  	[simem:s6], [sflag:s4] =	dma.local [hbm:s3], $0xF7A  }
0x26: {  	[smem:$0x3F9B] =	sst s1;
	(tag) =	ssettag s2;
	_ =	strace s9  }
0x27: {  	s1 =	sld [smem:$0x3FAB]  }
0x28: {  	s2 =	sld [smem:$0x3FAC]  }
0x29: {  	s4 =	sld [smem:$0x3FAE]  }
0x2a: {  	p0 =	seq.s32 s5, $0x0;
	s5 =	sld [smem:$0x3FAF]  }
0x2b: {  	s6 =	sld [smem:$0x3FB0]  }
0x2c: {  	s7 =	sld [smem:$0x3FB1]  }
0x2d: {  	s3 =	simm.s32 $0x108;
	s8 =	sld [smem:$0x3FB2]  }
0x2e: {  	s3 =	simm.s32 @!p0 $0x1082;
	s9 =	sld [smem:$0x3FB3]  }
0x2f: {  	lr =	sadd.s32 s0, s3;
	s0 =	sld [smem:$0x3FAA]  }
0x30: {  	s3 =	sld [smem:$0x3FAD]  }
0x31: {  	[smem:$0x3FB6] =	sst s10  }
0x32: {  	s10 =	sld [smem:$0x3FB4];
	_ =	sdelay $0x3  }
0x33: {  	p0 =	seq.s32 s10, $0x1;
	s10 =	sld [smem:$0x3FB6];
	_ =	sdelay $0x3  }
0x34: {  	[smem:$0x3FB6] =	sst s10  }
0x35: {  	s10 =	sld [smem:$0x3FB5];
	_ =	sdelay $0x3  }
0x36: {  	p1 =	seq.s32 s10, $0x1;
	s10 =	sld [smem:$0x3FB6];
	_ =	sdelay $0x3  }
0x37: {  	[smem:$0x3FB6] =	sst s10  }
0x38: {  	s10 =	sld [smem:$0x3FB7]  }
0x39: {  	_ = 	snop;
	(pc) =	sbr.ind lr, $3  }
0x3a: {  	_ = 	snop  }
0x3b: {  	_ = 	snop  }
0x3c: {  	p2 =	seq.s32 s10, $0x1;
	s10 =	sld [smem:$0x3FB6]  }
0x3d: {  	_ =	shalt  }
0x3e: {  	_ =	shalt  }
0x3f: {  	_ =	shalt  }
0x40: {  	_ =	shalt  }
0x41: {  	_ =	shalt  }
0x42: {  	_ =	shalt  }
0x43: {  	_ =	shalt  }
0x44: {  	_ =	shalt  }
0x45: {  	_ =	shalt  }
0x46: {  	_ =	shalt  }
0x47: {  	_ =	shalt  }
0x48: {  	_ =	shalt  }
0x49: {  	_ =	shalt  }
0x4a: {  	_ =	shalt  }
0x4b: {  	_ =	shalt  }
0x4c: {  	_ =	shalt  }
0x4d: {  	_ =	shalt  }
0x4e: {  	_ =	shalt  }
0x4f: {  	_ =	shalt  }
0x50: {  	_ =	shalt  }
0x51: {  	_ =	shalt  }
0x52: {  	_ =	shalt  }
0x53: {  	_ =	shalt  }
0x54: {  	_ =	shalt  }
0x55: {  	_ =	shalt  }
0x56: {  	_ =	shalt  }
0x57: {  	_ =	shalt  }
0x58: {  	_ =	shalt  }
0x59: {  	_ =	shalt  }
0x5a: {  	_ =	shalt  }
0x5b: {  	_ =	shalt  }
0x5c: {  	_ =	shalt  }
0x5d: {  	_ =	shalt  }
0x5e: {  	_ =	shalt  }
0x5f: {  	_ =	shalt  }
0x60: {  	_ =	shalt  }
0x61: {  	_ =	shalt  }
0x62: {  	_ =	shalt  }
0x63: {  	_ =	shalt  }
0x64: {  	_ =	shalt  }
0x65: {  	_ =	shalt  }
0x66: {  	_ =	shalt  }
0x67: {  	_ =	shalt  }
0x68: {  	_ =	shalt  }
0x69: {  	_ =	shalt  }
0x6a: {  	_ =	shalt  }
0x6b: {  	_ =	shalt  }
0x6c: {  	_ =	shalt  }
0x6d: {  	_ =	shalt  }
0x6e: {  	_ =	shalt  }
0x6f: {  	_ =	shalt  }
0x70: {  	_ =	shalt  }
0x71: {  	_ =	shalt  }
0x72: {  	_ =	shalt  }
0x73: {  	_ =	shalt  }
0x74: {  	_ =	shalt  }
0x75: {  	_ =	shalt  }
0x76: {  	_ =	shalt  }
0x77: {  	_ =	shalt  }
0x78: {  	_ =	shalt  }
0x79: {  	_ =	shalt  }
0x7a: {  	_ =	shalt  }
0x7b: {  	_ =	shalt  }
0x7c: {  	_ =	shalt  }
0x7d: {  	_ =	shalt  }
0x7e: {  	_ =	shalt  }
0x7f: {  	_ =	shalt  }
0x80: {  	_ =	shalt  }
0x81: {  	_ =	shalt  }
0x82: {  	_ =	shalt  }
0x83: {  	_ =	shalt  }
0x84: {  	_ =	shalt  }
0x85: {  	_ =	shalt  }
0x86: {  	_ =	shalt  }
0x87: {  	_ =	shalt  }
.Lfunc_end0:
.L_simem_size_0:
called_computation.1_lowered:
.L_overlay_start_0:
0x88: {  	s2 =	sld [smem:$0x3FD9]  }
0x89: {  	s3 =	sld [smem:$0x3FFE];
	_ =	sdelay $0x1  }
0x8a: {  	s1 =	srdreg.scid  }
0x8b: {  	s0 =	sand.u32 $0x1, s1  }
0x8c: {  	s17 =	sshll.u32 s0, $0xA;
	s2 =	sadd.s32 s3, s2  }
0x8d: {  	s2 =	sadd.s32 s2, s17  }
0x8e: {  	[smem:$0x3FC2] =	sst s2  }
0x8f: {  	_ = 	snop  }
0x90: {  	s2 =	sld [smem:$0x3FC8]  }
0x91: {  	s18 =	sld [smem:$0x3FD0];
	(tm) =	ssettm $0x1  }
0x92: {  	s4 =	sld [smem:$0x3FFB];
	_ =	sdelay $0x3  }
0x93: {  	_ =	strace s4  }
0x94: {  	s4 =	sld [smem:$0x3FFC];
	_ =	sdelay $0x3  }
0x95: {  	_ =	strace s4  }
0x96: {  	s4 =	sld [smem:$0x3FFD];
	_ =	sdelay $0x3  }
0x97: {  	_ =	strace s4  }
0x98: {  	_ =	strace $0x8FFFFFFF  }
0x99: {  	s19 =	sld [smem:$0x3FDB];
	_ =	sdelay $0x1  }
0x9a: {  	s5 =	simm.s32 $_scs_section_size  }
0x9b: {  	s6 =	simm.s32 $_size__tile_overlayer_lowered;
	s7 =	simm.s32 $_tile_overlayer_lowered  }
0x9c: {  	s22 =	simm.s32 $0x1BFF;
	s21 =	sshll.u32 s7, $0x1;
	s4 =	sadd.s32 s5, s19  }
0x9d: {  	s8 =	simm.s32 $0x0;
	s20 =	sshll.u32 s6, $0x1;
	s6 =	sadd.s32 s21, s4  }
0x9e: {  	[timem:s8], [sflag:s22] =	dma.local [hbm:s6], s20  }
0x9f: {  	_ =	swait.ge [sflag:s22], s20  }
0xa0: {  	s5 =	ssub.s32 $0x0, s20;
	[sflag:s22] =	ssyncset.done $0x0  }
0xa1: {  	[sflag:s22] =	ssyncadd.s32 s5;
	_ =	sdelay $0x1  }
0xa2: {  	s23 =	simm.s32 $0x1B8B  }
0xa3: {  	_ =	swait.ge [sflag:s23], $0x1  }
0xa4: {  	[sflag:s23] =	ssyncset.done $0x0  }
0xa5: {  	s25 =	simm.s32 $0x1B8E;
	s24 =	sld [smem:$0x3FFE];
	[sflag:s23] =	ssyncadd.s32 $0xFFFFFFFF  }
0xa6: {  	s26 =	simm.s32 $execute0_lowered;
	[smem:$0x3FD2] =	sst s25  }
0xa7: {  	s6 =	sshll.u32 s26, $0x1;
	_ =	strace $0x80000049;
	[dreg:$0x1] =	wrdreg $0xFFFFFFFF  }
0xa8: {  	s28 =	simm.s32 $_size_execute0_lowered;
	s4 =	sadd.s32 s4, s6;
	[dreg:$0x0] =	wrdreg $0x0  }
0xa9: {  	s6 =	sshll.u32 s28, $0x1;
	[dreg:$0x2] =	wrdreg s4  }
0xaa: {  	[dreg:$0x3] =	wrdreg s6  }
0xab: {  	[dreg:$0x4] =	wrdreg $0xC0  }
0xac: {  	_ =	task [dreg:s8], $0x5FFFF  }
0xad: {  	[dreg:$0x1] =	wrdreg $0xFFFFFFFF  }
0xae: {  	[dreg:$0x0] =	wrdreg $0x60  }
0xaf: {  	[dreg:$0x2] =	wrdreg s18  }
0xb0: {  	[dreg:$0x3] =	wrdreg s2  }
0xb1: {  	[dreg:$0x4] =	wrdreg s24  }
0xb2: {  	[dreg:$0x5] =	wrdreg $0x9  }
0xb3: {  	_ =	task.clear_ibuf [dreg:s8], $0x6FFFF;
	_ =	strace $0x90000049  }
0xb4: {  	s29 =	simm.s32 $0x9;
	_ =	strace $0x8000004B  }
0xb5: {  	_ =	swait.ge [sflag:s29], $0x1  }
0xb6: {  	[sflag:s29] =	ssyncadd.s32 $0xFFFFFFFF  }
0xb7: {  	_ =	strace $0x9000004B  }
0xb8: {  	_ =	sfence  }
0xb9: {  	s30 =	sld [smem:$0x0];
	_ =	sdelay $0x2  }
0xba: {  	s31 =	sshll.u32 s1, $0xD;
	s1 =	sshrl.u32 s1, $0x2  }
0xbb: {  	s3 =	sand.u32 $0x4000, s31;
	s1 =	sadd.s32 s1, s30  }
0xbc: {  	s0 =	sor.u32 s3, s0;
	s1 =	sshll.u32 s1, $0x11  }
0xbd: {  	s0 =	sor.u32 s1, s0  }
0xbe: {  	s0 =	sadd.s32 $0x8F2B, s0  }
0xbf: {  	[sflag:s0] =	ssyncadd.remote.s32 $0x1  }
0xc0: {  	_ =	sfence.sel $0xFFFF  }
0xc1: {  	[dreg:$0x0] =	wrdreg $0xFFFFFFFF;
	(pc) =	sbr.abs _section_cstart, $3  }
0xc2: {  	[dreg:$0x1] =	wrdreg $0xFFFFFFFF  }
0xc3: {  	_ =	task.clear_ibuf [dreg:s8], $0x2FFFF;
	_ =	strace $0x9FFFFFFF  }
0xc4: {  	(tm) =	ssettm $0x7FFFFFFF  }
0xc5: {  	_ =	shalt  }
tec
execute0_lowered:
.L_overlay_start_1:
0x0: {  	(tag) =	ssettag $0x1  }
0x1: {  	s1 =	rddreg [dreg:$0x0]  }
0x2: {  	s2 =	rddreg [dreg:$0x1]  }
0x3: {  	s5 =	rddreg [dreg:$0x2];
	s3 =	srdreg.scid  }
0x4: {  	s0 =	rddreg [dreg:$0x3];
	s4 =	simm.s32 $0x0;
	s11 =	simm.s32 $0x80  }
0x5: {  	s12 =	simm.s32 $0x400;
	s13 =	simm.s32 $0x18700;
	s14 =	simm.s32 $0x19700  }
0x6: {  	s15 =	simm.s32 $0x1;
	s16 =	simm.s32 $0x2;
	s17 =	simm.s32 $0x3  }
0x7: {  	s18 =	simm.s32 $0x1A700;
	s19 =	simm.s32 $0x4;
	s20 =	simm.s32 $0x0  }
0x8: {  	s6 =	sand.u32 $0x1, s3;
	[smem:$0x7FF] =	sst s4;
	s3 =	stileid.u32  }
0x9: {  	s5 =	sadd.s32 $0x1000, s5;
	s7 =	ssub.s32 $0x2, s6;
	s9 =	sshll.u32 s3, $0x1  }
0xa: {  	_ =	strace $0x8000004A;
	s8 =	sshrl.u32 s7, $0x1;
	s6 =	sor.u32 s6, s9  }
0xb: {  	s9 =	sadd.s32 $0x600, s1;
	s10 =	ssub.s32 s7, s8;
	s6 =	smul.u32 $0xD, s6  }
0xc: {  	s7 =	sadd.s32 $0x200, s1;
	s8 =	sadd.s32 $0x400, s1;
	s10 =	smax.u32 s10, $0x1  }
.LBB2_1:
0xd: {  	s21 =	simm.s32 $0x0  }
.LBB2_2:
0xe: {  	s22 =	sadd.s32 s6, s21  }
0xf: {  	s23 =	sshrl.u32 s22, $0x4;
	s24 =	sshll.u32 s22, $0x1C  }
0x10: {  	s23 =	smul.u32 $0x187000, s23;
	s24 =	sshra.s32 s24, $0x1F  }
0x11: {  	s25 =	sshll.u32 s22, $0x7;
	s24 =	sand.u32 $0xC3800, s24  }
0x12: {  	s29 =	sand.u32 $0x380, s25;
	s23 =	sadd.s32 s23, s24  }
0x13: {  	s23 =	sor.u32 s29, s23  }
0x14: {  	s23 =	sshrl.u32 s23, $0x3  }
0x15: {  	s23 =	sadd.s32 s2, s23  }
0x16: {  	[tilespmem:s4], [sflag:$0x1] =	stream.strided.gather [hbm4b:s23+s11], $0x18700, s12, s11, $0x38;
	[tilespmem:$0x1E700] =	vst v63  }
0x17: {  	s23 =	sand.u32 $0x1FFFF800, s25  }
0x18: {  	p0 =	seq.s32 s21, $0x0;
	s30 =	sadd.s32 s1, s23  }
0x19: {  	[tilespmem:s13], [sflag:$0x2] =	stream.linear.gather [hbm4b:s30+s4], $0x1000, $0x38;
	[tilespmem:$0x1E700] =	vst v63  }
0x1a: {  	s24 =	simm.s32 @!p0 $0x4;
	s31 =	sadd.s32 s23, s7  }
0x1b: {  	[tilespmem:s14], [sflag:$0x3] =	stream.linear.gather [hbm4b:s31+s4], $0x1000, $0x38;
	[tilespmem:$0x1E700] =	vst v63  }
0x1c: {  	_ =	swait.ge @!p0 [sflag:s24], $0x4000  }
0x1d: {  	[sflag:s24] =	ssyncset.done @!p0 $0x0  }
0x1e: {  	[sflag:s24] =	ssyncadd.s32 @!p0 $0xFFFFC000  }
0x1f: {  	_ =	swait.ge [sflag:s15], $0x18700  }
0x20: {  	[sflag:s15] =	ssyncset.done $0x0  }
0x21: {  	[sflag:s15] =	ssyncadd.s32 $0xFFFE7900  }
0x22: {  	_ =	swait.ge [sflag:s16], $0x1000  }
0x23: {  	[sflag:s16] =	ssyncset.done $0x0  }
0x24: {  	s24 =	simm.s32 $0x0;
	[sflag:s16] =	ssyncadd.s32 $0xFFFFF000  }
0x25: {  	v0 =	vld [tilespmem:s24+$0x18700];
	_ =	sdelay $0x5  }
0x26: {  	v1 =	vld [tilespmem:s24+$0x18710];
	_ =	sdelay $0x1  }
0x27: {  	v0 =	vld.idx.msk [tilespmem:v0+s4+$0x0], $0xffff;
	_ =	sdelay $0x4  }
0x28: {  	[tilespmem:s24+$0x1A700] =	vst v0;
	v0 =	vld [tilespmem:s24+$0x18720]  }
0x29: {  	v1 =	vld.idx.msk [tilespmem:v1+s4+$0x0], $0xffff;
	_ =	sdelay $0x4  }
0x2a: {  	[tilespmem:s24+$0x1A710] =	vst v1;
	v1 =	vld [tilespmem:s24+$0x18730];
	_ =	sdelay $0x1  }
0x2b: {  	v0 =	vld.idx.msk [tilespmem:v0+s4+$0x0], $0xffff;
	_ =	sdelay $0x4  }
0x2c: {  	[tilespmem:s24+$0x1A720] =	vst v0;
	v0 =	vld [tilespmem:s24+$0x18740]  }
0x2d: {  	v1 =	vld.idx.msk [tilespmem:v1+s4+$0x0], $0xffff;
	_ =	sdelay $0x4  }
0x2e: {  	[tilespmem:s24+$0x1A730] =	vst v1;
	v1 =	vld [tilespmem:s24+$0x18750];
	_ =	sdelay $0x1  }
0x2f: {  	v0 =	vld.idx.msk [tilespmem:v0+s4+$0x0], $0xffff;
	_ =	sdelay $0x4  }
0x30: {  	v2 =	vld [tilespmem:s24+$0x18760];
	[tilespmem:s24+$0x1A740] =	vst v0  }
0x31: {  	v0 =	vld.idx.msk [tilespmem:v1+s4+$0x0], $0xffff;
	_ =	sdelay $0x4  }
0x32: {  	[tilespmem:s24+$0x1A750] =	vst v0;
	v0 =	vld [tilespmem:s24+$0x18770];
	_ =	sdelay $0x1  }
0x33: {  	v1 =	vld.idx.msk [tilespmem:v2+s4+$0x0], $0xffff;
	_ =	sdelay $0x3  }
0x34: {  	s26 =	simm.s32 $0x80;
	s25 =	simm.s32 $0x400  }
.LBB2_3:
0x35: {  	p0 =	sne.s32 s25, $0x3E00;
	v2 =	vld [tilespmem:s26+$0x18700];
	[tilespmem:s24+$0x1A760] =	vst v1  }
0x36: {  	v0 =	vld.idx.msk [tilespmem:v0+s4+$0x0], $0xffff;
	_ =	sdelay $0x5  }
0x37: {  	v1 =	vld [tilespmem:s26+$0x18710];
	[tilespmem:s24+$0x1A770] =	vst v0;
	s24 =	smov.u32 s26  }
0x38: {  	v0 =	vld.idx.msk [tilespmem:v2+s4+$0x0], $0xffff;
	_ =	sdelay $0x5  }
0x39: {  	[tilespmem:s24+$0x1A700] =	vst v0;
	v0 =	vld [tilespmem:s24+$0x18720]  }
0x3a: {  	v1 =	vld.idx.msk [tilespmem:v1+s4+$0x0], $0xffff;
	_ =	sdelay $0x5  }
0x3b: {  	[tilespmem:s24+$0x1A710] =	vst v1;
	v1 =	vld [tilespmem:s24+$0x18730]  }
0x3c: {  	v0 =	vld.idx.msk [tilespmem:v0+s4+$0x0], $0xffff;
	_ =	sdelay $0x5  }
0x3d: {  	[tilespmem:s24+$0x1A720] =	vst v0;
	v0 =	vld [tilespmem:s24+$0x18740]  }
0x3e: {  	v1 =	vld.idx.msk [tilespmem:v1+s4+$0x0], $0xffff;
	_ =	sdelay $0x5  }
0x3f: {  	[tilespmem:s24+$0x1A730] =	vst v1;
	v1 =	vld [tilespmem:s24+$0x18750]  }
0x40: {  	v0 =	vld.idx.msk [tilespmem:v0+s4+$0x0], $0xffff;
	_ =	sdelay $0x5  }
0x41: {  	[tilespmem:s24+$0x1A740] =	vst v0;
	v2 =	vld [tilespmem:s24+$0x18760]  }
0x42: {  	v0 =	vld.idx.msk [tilespmem:v1+s4+$0x0], $0xffff;
	_ =	sdelay $0x5  }
0x43: {  	[tilespmem:s24+$0x1A750] =	vst v0;
	v0 =	vld [tilespmem:s24+$0x18770]  }
0x44: {  	v1 =	vld.idx.msk [tilespmem:v2+s4+$0x0], $0xffff  }
.Ltmp0:
0x45: {  	(pc) =	sbr.rel @p0 .LBB2_3-.Ltmp0, $2  }
0x46: {  	_ =	sdelay $0x2  }
0x47: {  	s26 =	sshra.s32 s25, $0x2;
	s25 =	sadd.s32 $0x200, s25  }
0x48: {  	_ =	sdelay $0x1  }
0x49: {  	v2 =	vld [tilespmem:s26+$0x18700]  }
0x4a: {  	[tilespmem:s24+$0x1A760] =	vst v1  }
0x4b: {  	v0 =	vld.idx.msk [tilespmem:v0+s4+$0x0], $0xffff;
	_ =	sdelay $0x3  }
0x4c: {  	v1 =	vld [tilespmem:s26+$0x18710]  }
0x4d: {  	[tilespmem:s24+$0x1A770] =	vst v0  }
0x4e: {  	v0 =	vld.idx.msk [tilespmem:v2+s4+$0x0], $0xffff;
	_ =	sdelay $0x4  }
0x4f: {  	[tilespmem:s26+$0x1A700] =	vst v0;
	v0 =	vld [tilespmem:s26+$0x18720]  }
0x50: {  	v1 =	vld.idx.msk [tilespmem:v1+s4+$0x0], $0xffff;
	_ =	sdelay $0x4  }
0x51: {  	[tilespmem:s26+$0x1A710] =	vst v1;
	v1 =	vld [tilespmem:s26+$0x18730];
	_ =	sdelay $0x1  }
0x52: {  	v0 =	vld.idx.msk [tilespmem:v0+s4+$0x0], $0xffff;
	_ =	sdelay $0x4  }
0x53: {  	[tilespmem:s26+$0x1A720] =	vst v0;
	v0 =	vld [tilespmem:s26+$0x18740]  }
0x54: {  	v1 =	vld.idx.msk [tilespmem:v1+s4+$0x0], $0xffff;
	_ =	sdelay $0x4  }
0x55: {  	[tilespmem:s26+$0x1A730] =	vst v1;
	v1 =	vld [tilespmem:s26+$0x18750];
	_ =	sdelay $0x1  }
0x56: {  	v0 =	vld.idx.msk [tilespmem:v0+s4+$0x0], $0xffff;
	_ =	sdelay $0x4  }
0x57: {  	[tilespmem:s26+$0x1A740] =	vst v0;
	v0 =	vld [tilespmem:s26+$0x18760]  }
0x58: {  	v1 =	vld.idx.msk [tilespmem:v1+s4+$0x0], $0xffff;
	_ =	sdelay $0x4  }
0x59: {  	[tilespmem:s26+$0x1A750] =	vst v1;
	v1 =	vld [tilespmem:s26+$0x18770];
	_ =	sdelay $0x1  }
0x5a: {  	v0 =	vld.idx.msk [tilespmem:v0+s4+$0x0], $0xffff;
	_ =	sdelay $0x4  }
0x5b: {  	[tilespmem:s26+$0x1A760] =	vst v0  }
0x5c: {  	v0 =	vld.idx.msk [tilespmem:v1+s4+$0x0], $0xffff;
	_ =	sdelay $0x4  }
0x5d: {  	s31 =	sadd.s32 s23, s8;
	s25 =	simm.s32 $0x0;
	[tilespmem:s26+$0x1A770] =	vst v0  }
0x5e: {  	[tilespmem:s13], [sflag:$0x2] =	stream.linear.gather [hbm4b:s31+s25], $0x1000, $0x38;
	[tilespmem:$0x1E700] =	vst v63  }
0x5f: {  	_ =	swait.ge [sflag:s17], $0x1000  }
0x60: {  	[sflag:s17] =	ssyncset.done $0x0  }
0x61: {  	s24 =	simm.s32 $0x0;
	[sflag:s17] =	ssyncadd.s32 $0xFFFFF000  }
0x62: {  	v0 =	vld [tilespmem:s24+$0x19700];
	_ =	sdelay $0x5  }
0x63: {  	v1 =	vld [tilespmem:s24+$0x19710];
	_ =	sdelay $0x1  }
0x64: {  	v0 =	vld.idx.msk [tilespmem:v0+s4+$0x0], $0xffff;
	_ =	sdelay $0x4  }
0x65: {  	[tilespmem:s24+$0x1B700] =	vst v0;
	v0 =	vld [tilespmem:s24+$0x19720]  }
0x66: {  	v1 =	vld.idx.msk [tilespmem:v1+s4+$0x0], $0xffff;
	_ =	sdelay $0x4  }
0x67: {  	[tilespmem:s24+$0x1B710] =	vst v1;
	v1 =	vld [tilespmem:s24+$0x19730];
	_ =	sdelay $0x1  }
0x68: {  	v0 =	vld.idx.msk [tilespmem:v0+s4+$0x0], $0xffff;
	_ =	sdelay $0x4  }
0x69: {  	[tilespmem:s24+$0x1B720] =	vst v0;
	v0 =	vld [tilespmem:s24+$0x19740]  }
0x6a: {  	v1 =	vld.idx.msk [tilespmem:v1+s4+$0x0], $0xffff;
	_ =	sdelay $0x4  }
0x6b: {  	[tilespmem:s24+$0x1B730] =	vst v1;
	v1 =	vld [tilespmem:s24+$0x19750];
	_ =	sdelay $0x1  }
0x6c: {  	v0 =	vld.idx.msk [tilespmem:v0+s4+$0x0], $0xffff;
	_ =	sdelay $0x4  }
0x6d: {  	v2 =	vld [tilespmem:s24+$0x19760];
	[tilespmem:s24+$0x1B740] =	vst v0  }
0x6e: {  	v0 =	vld.idx.msk [tilespmem:v1+s4+$0x0], $0xffff;
	_ =	sdelay $0x4  }
0x6f: {  	[tilespmem:s24+$0x1B750] =	vst v0;
	v0 =	vld [tilespmem:s24+$0x19770];
	_ =	sdelay $0x1  }
0x70: {  	v1 =	vld.idx.msk [tilespmem:v2+s4+$0x0], $0xffff;
	_ =	sdelay $0x3  }
0x71: {  	s26 =	simm.s32 $0x80;
	s25 =	simm.s32 $0x400  }
.LBB2_5:
0x72: {  	p0 =	sne.s32 s25, $0x3E00;
	v2 =	vld [tilespmem:s26+$0x19700];
	[tilespmem:s24+$0x1B760] =	vst v1  }
0x73: {  	v0 =	vld.idx.msk [tilespmem:v0+s4+$0x0], $0xffff;
	_ =	sdelay $0x5  }
0x74: {  	v1 =	vld [tilespmem:s26+$0x19710];
	[tilespmem:s24+$0x1B770] =	vst v0;
	s24 =	smov.u32 s26  }
0x75: {  	v0 =	vld.idx.msk [tilespmem:v2+s4+$0x0], $0xffff;
	_ =	sdelay $0x5  }
0x76: {  	[tilespmem:s24+$0x1B700] =	vst v0;
	v0 =	vld [tilespmem:s24+$0x19720]  }
0x77: {  	v1 =	vld.idx.msk [tilespmem:v1+s4+$0x0], $0xffff;
	_ =	sdelay $0x5  }
0x78: {  	[tilespmem:s24+$0x1B710] =	vst v1;
	v1 =	vld [tilespmem:s24+$0x19730]  }
0x79: {  	v0 =	vld.idx.msk [tilespmem:v0+s4+$0x0], $0xffff;
	_ =	sdelay $0x5  }
0x7a: {  	[tilespmem:s24+$0x1B720] =	vst v0;
	v0 =	vld [tilespmem:s24+$0x19740]  }
0x7b: {  	v1 =	vld.idx.msk [tilespmem:v1+s4+$0x0], $0xffff;
	_ =	sdelay $0x5  }
0x7c: {  	[tilespmem:s24+$0x1B730] =	vst v1;
	v1 =	vld [tilespmem:s24+$0x19750]  }
0x7d: {  	v0 =	vld.idx.msk [tilespmem:v0+s4+$0x0], $0xffff;
	_ =	sdelay $0x5  }
0x7e: {  	[tilespmem:s24+$0x1B740] =	vst v0;
	v2 =	vld [tilespmem:s24+$0x19760]  }
0x7f: {  	v0 =	vld.idx.msk [tilespmem:v1+s4+$0x0], $0xffff;
	_ =	sdelay $0x5  }
0x80: {  	[tilespmem:s24+$0x1B750] =	vst v0;
	v0 =	vld [tilespmem:s24+$0x19770]  }
0x81: {  	v1 =	vld.idx.msk [tilespmem:v2+s4+$0x0], $0xffff  }
.Ltmp1:
0x82: {  	(pc) =	sbr.rel @p0 .LBB2_5-.Ltmp1, $2  }
0x83: {  	_ =	sdelay $0x2  }
0x84: {  	s26 =	sshra.s32 s25, $0x2;
	s25 =	sadd.s32 $0x200, s25  }
0x85: {  	_ =	sdelay $0x1  }
0x86: {  	v2 =	vld [tilespmem:s26+$0x19700]  }
0x87: {  	[tilespmem:s24+$0x1B760] =	vst v1  }
0x88: {  	v0 =	vld.idx.msk [tilespmem:v0+s4+$0x0], $0xffff;
	_ =	sdelay $0x3  }
0x89: {  	v1 =	vld [tilespmem:s26+$0x19710]  }
0x8a: {  	[tilespmem:s24+$0x1B770] =	vst v0  }
0x8b: {  	v0 =	vld.idx.msk [tilespmem:v2+s4+$0x0], $0xffff;
	_ =	sdelay $0x4  }
0x8c: {  	[tilespmem:s26+$0x1B700] =	vst v0;
	v0 =	vld [tilespmem:s26+$0x19720]  }
0x8d: {  	v1 =	vld.idx.msk [tilespmem:v1+s4+$0x0], $0xffff;
	_ =	sdelay $0x4  }
0x8e: {  	[tilespmem:s26+$0x1B710] =	vst v1;
	v1 =	vld [tilespmem:s26+$0x19730];
	_ =	sdelay $0x1  }
0x8f: {  	v0 =	vld.idx.msk [tilespmem:v0+s4+$0x0], $0xffff;
	_ =	sdelay $0x4  }
0x90: {  	[tilespmem:s26+$0x1B720] =	vst v0;
	v0 =	vld [tilespmem:s26+$0x19740]  }
0x91: {  	v1 =	vld.idx.msk [tilespmem:v1+s4+$0x0], $0xffff;
	_ =	sdelay $0x4  }
0x92: {  	[tilespmem:s26+$0x1B730] =	vst v1;
	v1 =	vld [tilespmem:s26+$0x19750];
	_ =	sdelay $0x1  }
0x93: {  	v0 =	vld.idx.msk [tilespmem:v0+s4+$0x0], $0xffff;
	_ =	sdelay $0x4  }
0x94: {  	[tilespmem:s26+$0x1B740] =	vst v0;
	v0 =	vld [tilespmem:s26+$0x19760]  }
0x95: {  	v1 =	vld.idx.msk [tilespmem:v1+s4+$0x0], $0xffff;
	_ =	sdelay $0x4  }
0x96: {  	[tilespmem:s26+$0x1B750] =	vst v1;
	v1 =	vld [tilespmem:s26+$0x19770];
	_ =	sdelay $0x1  }
0x97: {  	v0 =	vld.idx.msk [tilespmem:v0+s4+$0x0], $0xffff;
	_ =	sdelay $0x4  }
0x98: {  	[tilespmem:s26+$0x1B760] =	vst v0  }
0x99: {  	v0 =	vld.idx.msk [tilespmem:v1+s4+$0x0], $0xffff;
	_ =	sdelay $0x4  }
0x9a: {  	s23 =	sadd.s32 s23, s9;
	s31 =	simm.s32 $0x0;
	[tilespmem:s26+$0x1B770] =	vst v0  }
0x9b: {  	[tilespmem:s14], [sflag:$0x3] =	stream.linear.gather [hbm4b:s23+s31], $0x1000, $0x38;
	[tilespmem:$0x1E700] =	vst v63  }
0x9c: {  	_ =	swait.ge [sflag:s16], $0x1000  }
0x9d: {  	[sflag:s16] =	ssyncset.done $0x0  }
0x9e: {  	s23 =	simm.s32 $0x0;
	[sflag:s16] =	ssyncadd.s32 $0xFFFFF000  }
0x9f: {  	v0 =	vld [tilespmem:s23+$0x18700];
	_ =	sdelay $0x5  }
0xa0: {  	v1 =	vld [tilespmem:s23+$0x18710];
	_ =	sdelay $0x1  }
0xa1: {  	v0 =	vld.idx.msk [tilespmem:v0+s4+$0x0], $0xffff;
	_ =	sdelay $0x4  }
0xa2: {  	[tilespmem:s23+$0x1C700] =	vst v0;
	v0 =	vld [tilespmem:s23+$0x18720]  }
0xa3: {  	v1 =	vld.idx.msk [tilespmem:v1+s4+$0x0], $0xffff;
	_ =	sdelay $0x4  }
0xa4: {  	[tilespmem:s23+$0x1C710] =	vst v1;
	v1 =	vld [tilespmem:s23+$0x18730];
	_ =	sdelay $0x1  }
0xa5: {  	v0 =	vld.idx.msk [tilespmem:v0+s4+$0x0], $0xffff;
	_ =	sdelay $0x4  }
0xa6: {  	[tilespmem:s23+$0x1C720] =	vst v0;
	v0 =	vld [tilespmem:s23+$0x18740]  }
0xa7: {  	v1 =	vld.idx.msk [tilespmem:v1+s4+$0x0], $0xffff;
	_ =	sdelay $0x4  }
0xa8: {  	[tilespmem:s23+$0x1C730] =	vst v1;
	v1 =	vld [tilespmem:s23+$0x18750];
	_ =	sdelay $0x1  }
0xa9: {  	v0 =	vld.idx.msk [tilespmem:v0+s4+$0x0], $0xffff;
	_ =	sdelay $0x4  }
0xaa: {  	v2 =	vld [tilespmem:s23+$0x18760];
	[tilespmem:s23+$0x1C740] =	vst v0  }
0xab: {  	v0 =	vld.idx.msk [tilespmem:v1+s4+$0x0], $0xffff;
	_ =	sdelay $0x4  }
0xac: {  	[tilespmem:s23+$0x1C750] =	vst v0;
	v0 =	vld [tilespmem:s23+$0x18770];
	_ =	sdelay $0x1  }
0xad: {  	v1 =	vld.idx.msk [tilespmem:v2+s4+$0x0], $0xffff;
	_ =	sdelay $0x3  }
0xae: {  	s25 =	simm.s32 $0x80;
	s24 =	simm.s32 $0x400  }
.LBB2_7:
0xaf: {  	p0 =	sne.s32 s24, $0x3E00;
	v2 =	vld [tilespmem:s25+$0x18700];
	[tilespmem:s23+$0x1C760] =	vst v1  }
0xb0: {  	v0 =	vld.idx.msk [tilespmem:v0+s4+$0x0], $0xffff;
	_ =	sdelay $0x5  }
0xb1: {  	v1 =	vld [tilespmem:s25+$0x18710];
	[tilespmem:s23+$0x1C770] =	vst v0;
	s23 =	smov.u32 s25  }
0xb2: {  	v0 =	vld.idx.msk [tilespmem:v2+s4+$0x0], $0xffff;
	_ =	sdelay $0x5  }
0xb3: {  	[tilespmem:s23+$0x1C700] =	vst v0;
	v0 =	vld [tilespmem:s23+$0x18720]  }
0xb4: {  	v1 =	vld.idx.msk [tilespmem:v1+s4+$0x0], $0xffff;
	_ =	sdelay $0x5  }
0xb5: {  	[tilespmem:s23+$0x1C710] =	vst v1;
	v1 =	vld [tilespmem:s23+$0x18730]  }
0xb6: {  	v0 =	vld.idx.msk [tilespmem:v0+s4+$0x0], $0xffff;
	_ =	sdelay $0x5  }
0xb7: {  	[tilespmem:s23+$0x1C720] =	vst v0;
	v0 =	vld [tilespmem:s23+$0x18740]  }
0xb8: {  	v1 =	vld.idx.msk [tilespmem:v1+s4+$0x0], $0xffff;
	_ =	sdelay $0x5  }
0xb9: {  	[tilespmem:s23+$0x1C730] =	vst v1;
	v1 =	vld [tilespmem:s23+$0x18750]  }
0xba: {  	v0 =	vld.idx.msk [tilespmem:v0+s4+$0x0], $0xffff;
	_ =	sdelay $0x5  }
0xbb: {  	[tilespmem:s23+$0x1C740] =	vst v0;
	v2 =	vld [tilespmem:s23+$0x18760]  }
0xbc: {  	v0 =	vld.idx.msk [tilespmem:v1+s4+$0x0], $0xffff;
	_ =	sdelay $0x5  }
0xbd: {  	[tilespmem:s23+$0x1C750] =	vst v0;
	v0 =	vld [tilespmem:s23+$0x18770]  }
0xbe: {  	v1 =	vld.idx.msk [tilespmem:v2+s4+$0x0], $0xffff  }
.Ltmp2:
0xbf: {  	(pc) =	sbr.rel @p0 .LBB2_7-.Ltmp2, $2  }
0xc0: {  	_ =	sdelay $0x2  }
0xc1: {  	s25 =	sshra.s32 s24, $0x2;
	s24 =	sadd.s32 $0x200, s24  }
0xc2: {  	_ =	sdelay $0x1  }
0xc3: {  	v2 =	vld [tilespmem:s25+$0x18700]  }
0xc4: {  	[tilespmem:s23+$0x1C760] =	vst v1  }
0xc5: {  	v0 =	vld.idx.msk [tilespmem:v0+s4+$0x0], $0xffff;
	_ =	sdelay $0x3  }
0xc6: {  	v1 =	vld [tilespmem:s25+$0x18710]  }
0xc7: {  	[tilespmem:s23+$0x1C770] =	vst v0  }
0xc8: {  	v0 =	vld.idx.msk [tilespmem:v2+s4+$0x0], $0xffff;
	_ =	sdelay $0x4  }
0xc9: {  	[tilespmem:s25+$0x1C700] =	vst v0;
	v0 =	vld [tilespmem:s25+$0x18720]  }
0xca: {  	v1 =	vld.idx.msk [tilespmem:v1+s4+$0x0], $0xffff;
	_ =	sdelay $0x4  }
0xcb: {  	[tilespmem:s25+$0x1C710] =	vst v1;
	v1 =	vld [tilespmem:s25+$0x18730];
	_ =	sdelay $0x1  }
0xcc: {  	v0 =	vld.idx.msk [tilespmem:v0+s4+$0x0], $0xffff;
	_ =	sdelay $0x4  }
0xcd: {  	[tilespmem:s25+$0x1C720] =	vst v0;
	v0 =	vld [tilespmem:s25+$0x18740]  }
0xce: {  	v1 =	vld.idx.msk [tilespmem:v1+s4+$0x0], $0xffff;
	_ =	sdelay $0x4  }
0xcf: {  	[tilespmem:s25+$0x1C730] =	vst v1;
	v1 =	vld [tilespmem:s25+$0x18750];
	_ =	sdelay $0x1  }
0xd0: {  	v0 =	vld.idx.msk [tilespmem:v0+s4+$0x0], $0xffff;
	_ =	sdelay $0x4  }
0xd1: {  	[tilespmem:s25+$0x1C740] =	vst v0;
	v0 =	vld [tilespmem:s25+$0x18760]  }
0xd2: {  	v1 =	vld.idx.msk [tilespmem:v1+s4+$0x0], $0xffff;
	_ =	sdelay $0x4  }
0xd3: {  	[tilespmem:s25+$0x1C750] =	vst v1;
	v1 =	vld [tilespmem:s25+$0x18770];
	_ =	sdelay $0x1  }
0xd4: {  	v0 =	vld.idx.msk [tilespmem:v0+s4+$0x0], $0xffff;
	_ =	sdelay $0x4  }
0xd5: {  	[tilespmem:s25+$0x1C760] =	vst v0  }
0xd6: {  	v0 =	vld.idx.msk [tilespmem:v1+s4+$0x0], $0xffff;
	_ =	sdelay $0x4  }
0xd7: {  	[tilespmem:s25+$0x1C770] =	vst v0  }
0xd8: {  	_ =	swait.ge [sflag:s17], $0x1000  }
0xd9: {  	[sflag:s17] =	ssyncset.done $0x0  }
0xda: {  	s23 =	simm.s32 $0x0;
	[sflag:s17] =	ssyncadd.s32 $0xFFFFF000  }
0xdb: {  	v0 =	vld [tilespmem:s23+$0x19700];
	_ =	sdelay $0x5  }
0xdc: {  	v1 =	vld [tilespmem:s23+$0x19710];
	_ =	sdelay $0x1  }
0xdd: {  	v0 =	vld.idx.msk [tilespmem:v0+s4+$0x0], $0xffff;
	_ =	sdelay $0x4  }
0xde: {  	[tilespmem:s23+$0x1D700] =	vst v0;
	v0 =	vld [tilespmem:s23+$0x19720]  }
0xdf: {  	v1 =	vld.idx.msk [tilespmem:v1+s4+$0x0], $0xffff;
	_ =	sdelay $0x4  }
0xe0: {  	[tilespmem:s23+$0x1D710] =	vst v1;
	v1 =	vld [tilespmem:s23+$0x19730];
	_ =	sdelay $0x1  }
0xe1: {  	v0 =	vld.idx.msk [tilespmem:v0+s4+$0x0], $0xffff;
	_ =	sdelay $0x4  }
0xe2: {  	[tilespmem:s23+$0x1D720] =	vst v0;
	v0 =	vld [tilespmem:s23+$0x19740]  }
0xe3: {  	v1 =	vld.idx.msk [tilespmem:v1+s4+$0x0], $0xffff;
	_ =	sdelay $0x4  }
0xe4: {  	[tilespmem:s23+$0x1D730] =	vst v1;
	v1 =	vld [tilespmem:s23+$0x19750];
	_ =	sdelay $0x1  }
0xe5: {  	v0 =	vld.idx.msk [tilespmem:v0+s4+$0x0], $0xffff;
	_ =	sdelay $0x4  }
0xe6: {  	v2 =	vld [tilespmem:s23+$0x19760];
	[tilespmem:s23+$0x1D740] =	vst v0  }
0xe7: {  	v0 =	vld.idx.msk [tilespmem:v1+s4+$0x0], $0xffff;
	_ =	sdelay $0x4  }
0xe8: {  	[tilespmem:s23+$0x1D750] =	vst v0;
	v0 =	vld [tilespmem:s23+$0x19770];
	_ =	sdelay $0x1  }
0xe9: {  	v1 =	vld.idx.msk [tilespmem:v2+s4+$0x0], $0xffff;
	_ =	sdelay $0x3  }
0xea: {  	s24 =	simm.s32 $0x400;
	s25 =	simm.s32 $0x80  }
.LBB2_9:
0xeb: {  	p0 =	sne.s32 s24, $0x3E00;
	v2 =	vld [tilespmem:s25+$0x19700];
	[tilespmem:s23+$0x1D760] =	vst v1  }
0xec: {  	v0 =	vld.idx.msk [tilespmem:v0+s4+$0x0], $0xffff;
	_ =	sdelay $0x5  }
0xed: {  	v1 =	vld [tilespmem:s25+$0x19710];
	[tilespmem:s23+$0x1D770] =	vst v0;
	s23 =	smov.u32 s25  }
0xee: {  	v0 =	vld.idx.msk [tilespmem:v2+s4+$0x0], $0xffff;
	_ =	sdelay $0x5  }
0xef: {  	[tilespmem:s23+$0x1D700] =	vst v0;
	v0 =	vld [tilespmem:s23+$0x19720]  }
0xf0: {  	v1 =	vld.idx.msk [tilespmem:v1+s4+$0x0], $0xffff;
	_ =	sdelay $0x5  }
0xf1: {  	[tilespmem:s23+$0x1D710] =	vst v1;
	v1 =	vld [tilespmem:s23+$0x19730]  }
0xf2: {  	v0 =	vld.idx.msk [tilespmem:v0+s4+$0x0], $0xffff;
	_ =	sdelay $0x5  }
0xf3: {  	[tilespmem:s23+$0x1D720] =	vst v0;
	v0 =	vld [tilespmem:s23+$0x19740]  }
0xf4: {  	v1 =	vld.idx.msk [tilespmem:v1+s4+$0x0], $0xffff;
	_ =	sdelay $0x5  }
0xf5: {  	[tilespmem:s23+$0x1D730] =	vst v1;
	v1 =	vld [tilespmem:s23+$0x19750]  }
0xf6: {  	v0 =	vld.idx.msk [tilespmem:v0+s4+$0x0], $0xffff;
	_ =	sdelay $0x5  }
0xf7: {  	[tilespmem:s23+$0x1D740] =	vst v0;
	v2 =	vld [tilespmem:s23+$0x19760]  }
0xf8: {  	v0 =	vld.idx.msk [tilespmem:v1+s4+$0x0], $0xffff;
	_ =	sdelay $0x5  }
0xf9: {  	[tilespmem:s23+$0x1D750] =	vst v0;
	v0 =	vld [tilespmem:s23+$0x19770]  }
0xfa: {  	v1 =	vld.idx.msk [tilespmem:v2+s4+$0x0], $0xffff  }
.Ltmp3:
0xfb: {  	(pc) =	sbr.rel @p0 .LBB2_9-.Ltmp3, $2  }
0xfc: {  	_ =	sdelay $0x2  }
0xfd: {  	s25 =	sshra.s32 s24, $0x2;
	s24 =	sadd.s32 $0x200, s24  }
0xfe: {  	_ =	sdelay $0x1  }
0xff: {  	v2 =	vld [tilespmem:s25+$0x19700]  }
0x100: {  	[tilespmem:s23+$0x1D760] =	vst v1  }
0x101: {  	v0 =	vld.idx.msk [tilespmem:v0+s4+$0x0], $0xffff;
	_ =	sdelay $0x3  }
0x102: {  	v1 =	vld [tilespmem:s25+$0x19710]  }
0x103: {  	[tilespmem:s23+$0x1D770] =	vst v0  }
0x104: {  	v0 =	vld.idx.msk [tilespmem:v2+s4+$0x0], $0xffff;
	_ =	sdelay $0x3  }
0x105: {  	v58 =	vld [tilespmem:s25+$0x19720]  }
0x106: {  	[tilespmem:s25+$0x1D700] =	vst v0  }
0x107: {  	v1 =	vld.idx.msk [tilespmem:v1+s4+$0x0], $0xffff;
	_ =	sdelay $0x3  }
0x108: {  	v59 =	vld [tilespmem:s25+$0x19730]  }
0x109: {  	[tilespmem:s25+$0x1D710] =	vst v1  }
0x10a: {  	v0 =	vld.idx.msk [tilespmem:v58+s4+$0x0], $0xffff;
	_ =	sdelay $0x3  }
0x10b: {  	v60 =	vld [tilespmem:s25+$0x19740]  }
0x10c: {  	[tilespmem:s25+$0x1D720] =	vst v0  }
0x10d: {  	v1 =	vld.idx.msk [tilespmem:v59+s4+$0x0], $0xffff;
	_ =	sdelay $0x3  }
0x10e: {  	v61 =	vld [tilespmem:s25+$0x19750]  }
0x10f: {  	[tilespmem:s25+$0x1D730] =	vst v1  }
0x110: {  	v0 =	vld.idx.msk [tilespmem:v60+s4+$0x0], $0xffff;
	_ =	sdelay $0x3  }
0x111: {  	v62 =	vld [tilespmem:s25+$0x19760]  }
0x112: {  	[tilespmem:s25+$0x1D740] =	vst v0  }
0x113: {  	v1 =	vld.idx.msk [tilespmem:v61+s4+$0x0], $0xffff;
	_ =	sdelay $0x3  }
0x114: {  	v63 =	vld [tilespmem:s25+$0x19770]  }
0x115: {  	[tilespmem:s25+$0x1D750] =	vst v1  }
0x116: {  	v0 =	vld.idx.msk [tilespmem:v62+s4+$0x0], $0xffff;
	_ =	sdelay $0x4  }
0x117: {  	[tilespmem:s25+$0x1D760] =	vst v0  }
0x118: {  	s21 =	sadd.s32 $0x1, s21;
	v0 =	vld.idx.msk [tilespmem:v63+s4+$0x0], $0xffff  }
0x119: {  	p0 =	sne.s32 s21, $0xD  }
.Ltmp4:
0x11a: {  	_ = 	snop;
	(pc) =	sbr.rel @p0 .LBB2_2-.Ltmp4, $4  }
0x11b: {  	_ = 	snop  }
0x11c: {  	s22 =	sshll.u32 s22, $0xB  }
0x11d: {  	s22 =	sadd.s32 s5, s22;
	[tilespmem:s25+$0x1D770] =	vst v0  }
0x11e: {  	[hbm4b:s22+s4] =	stream.linear.scatter [tilespmem:s18], [sflag:$0x4], $0x4000, $0x38;
	[tilespmem:$0x1E700] =	vst v63  }
0x11f: {  	s20 =	sadd.s32 $0x1, s20  }
0x120: {  	p0 =	sne.s32 s20, s10  }
.Ltmp5:
0x121: {  	_ = 	snop;
	(pc) =	sbr.rel @p0 .LBB2_1-.Ltmp5, $4  }
0x122: {  	_ = 	snop  }
0x123: {  	_ =	swait.ge [sflag:s19], $0x4000  }
0x124: {  	[sflag:s19] =	ssyncset.done $0x0  }
0x125: {  	[sflag:s19] =	ssyncadd.s32 $0xFFFFC000  }
0x126: {  	_ =	sfence.sel $0x180000  }
0x127: {  	[bflag:$0x0] =	sbarrier.arrive $0xFFFF  }
0x128: {  	p0 =	sne.s32 s3, $0x0;
	_ =	strace $0x9000004A  }
0x129: {  	s0 =	sadd.s32 @!p0 $0x100000, s0;
	[bflag:$0x2] =	sbarrier.arrive $0xFFFF  }
0x12a: {  	[sflag:s0] =	ssyncadd.tile.s32 @!p0 $0x1;
	_ =	shalt  }
.Lfunc_end2:
_tile_overlayer_lowered:
.L_overlay_start_2:
0x12b: {  	(tag) =	ssettag $0x2  }
0x12c: {  	s0 =	rddreg [dreg:$0x0];
	s2 =	stileid.u32  }
0x12d: {  	s1 =	rddreg [dreg:$0x1];
	p0 =	sne.s32 s2, $0x0  }
0x12e: {  	s3 =	rddreg [dreg:$0x2];
	[bflag:$0x3] =	sbarrier.arrive $0xFFFF;
	s2 =	simm.s32 @!p0 $0x1C05  }
0x12f: {  	[timem:s3], [sflag:s2] =	dma.local @!p0 [hbm:s0], s1  }
0x130: {  	s0 =	simm.s32 @!p0 $0x5  }
0x131: {  	_ =	swait.ge @!p0 [sflag:s0], s1  }
0x132: {  	s1 =	ssub.s32 @!p0 $0x0, s1;
	[sflag:s0] =	ssyncset.done @!p0 $0x0  }
0x133: {  	[sflag:s0] =	ssyncadd.s32 @!p0 s1  }
0x134: {  	[bflag:$0x3] =	sbarrier.arrive $0xFFFF  }
0x135: {  	_ =	shalt  }

</sc_bundles>
